<compile_context>
chip_gen: v7x
topology: tpu7x:2x2x1
jax: 0.10.2.dev20260603
libtpu: 0.0.44.dev20260713+nightly
codegen_flags: <defaults>
</compile_context>

<pallas_src>
import functools

import jax
import jax.numpy as jnp
from jax import lax
from jax.experimental import pallas as pl
from jax.experimental.pallas import tpu as pltpu
from jax.experimental.pallas import tpu_sc as plsc

VOCAB = 100000
EDIM = 32
NTAB = 26
B = 16384
NUM_DENSE = 13
CAT_DIM = NTAB * EDIM

BC = 4096
NCHUNK = B // BC
BN = 2048


def _sc_gather_t(tabT, idx):
    mesh = plsc.VectorSubcoreMesh(core_axis_name="core", subcore_axis_name="subcore")

    @functools.partial(
        pl.kernel,
        out_type=jax.ShapeDtypeStruct((CAT_DIM, B), jnp.float32),
        mesh=mesh,
        compiler_params=pltpu.CompilerParams(needs_layout_passes=False),
        scratch_types=[
            pltpu.VMEM((VOCAB,), jnp.float32),
            pltpu.VMEM((B,), jnp.int32),
            pltpu.VMEM((BC,), jnp.float32),
            pltpu.VMEM((BC,), jnp.float32),
            pltpu.SemaphoreType.DMA,
            pltpu.SemaphoreType.DMA,
            pltpu.SemaphoreType.DMA,
        ],
    )
    def gather_kernel(tabT_hbm, idx_hbm, out_hbm, tab_v, idx_v,
                      out_va, out_vb, sem_i, sem_o0, sem_o1):
        w = lax.axis_index("subcore") * 2 + lax.axis_index("core")
        p = lax.rem(w, 16)
        half = w // 16
        NT_H = NTAB // 2
        t0 = (p * NT_H) // 16
        sem_o = (sem_o0, sem_o1)
        out_bufs = (out_va, out_vb)

        def start_idx(t):
            pltpu.async_copy(idx_hbm.at[t], idx_v, sem_i)

        def wait_idx():
            pltpu.make_async_copy(idx_hbm.at[0], idx_v, sem_i).wait()

        def wait_out(buf):
            pltpu.make_async_copy(
                out_bufs[buf], out_hbm.at[0, pl.ds(0, BC)], sem_o[buf]).wait()

        start_idx(half * NT_H + t0)

        @pl.loop(0, NT_H)
        def _(k):
            t = half * NT_H + lax.rem(t0 + k, NT_H)

            for ei in range(2):
                e = p * 2 + ei
                pltpu.sync_copy(tabT_hbm.at[t, e], tab_v)
                if ei == 0:
                    wait_idx()

                for c in range(NCHUNK):
                    cc = ei * NCHUNK + c
                    buf = cc % 2
                    if cc >= 2:
                        wait_out(buf)
                    else:
                        @pl.when(k > 0)
                        def _():
                            wait_out(buf)

                    ob = out_bufs[buf]

                    @plsc.parallel_loop(0, BC // 16, unroll=16)
                    def _(i):
                        iv = idx_v[pl.ds(c * BC + i * 16, 16)]
                        ob[pl.ds(i * 16, 16)] = plsc.load_gather(tab_v, [iv])

                    pltpu.async_copy(
                        ob, out_hbm.at[t * EDIM + e, pl.ds(c * BC, BC)],
                        sem_o[buf])

            @pl.when(k < NT_H - 1)
            def _():
                start_idx(half * NT_H + lax.rem(t0 + k + 1, NT_H))

        wait_out(0)
        wait_out(1)

    return gather_kernel(tabT, idx)


def _mlp_t_body(xT_ref, numT_ref, w1cT_ref, w1nT_ref, b1_ref, w2T_ref, b2_ref,
                w3T_ref, b3_ref, w4T_ref, b4_ref, outT_ref):
    h = jnp.dot(w1cT_ref[...], xT_ref[...], preferred_element_type=jnp.float32)
    h = h + jnp.dot(w1nT_ref[...], numT_ref[...], preferred_element_type=jnp.float32)
    h = jnp.maximum(h + b1_ref[...], 0.0)
    h = jnp.maximum(
        jnp.dot(w2T_ref[...], h, preferred_element_type=jnp.float32) + b2_ref[...], 0.0)
    h = jnp.maximum(
        jnp.dot(w3T_ref[...], h, preferred_element_type=jnp.float32) + b3_ref[...], 0.0)
    outT_ref[...] = jnp.dot(w4T_ref[...], h, preferred_element_type=jnp.float32) + b4_ref[...]


def _mlp_t(xT, numT, w1cT, w1nT, b1c, w2T, b2c, w3T, b3c, w4T, b4c):
    nblk = B // BN
    full = lambda shape: pl.BlockSpec(shape, lambda i: (0, 0))
    return pl.pallas_call(
        _mlp_t_body,
        grid=(nblk,),
        in_specs=[
            pl.BlockSpec((CAT_DIM, BN), lambda i: (0, i)),
            pl.BlockSpec((NUM_DENSE, BN), lambda i: (0, i)),
            full((512, CAT_DIM)),
            full((512, NUM_DENSE)),
            full((512, 1)),
            full((256, 512)),
            full((256, 1)),
            full((128, 256)),
            full((128, 1)),
            full((1, 128)),
            full((1, 1)),
        ],
        out_specs=pl.BlockSpec((1, BN), lambda i: (0, i)),
        out_shape=jax.ShapeDtypeStruct((1, B), jnp.float32),
    )(xT, numT, w1cT, w1nT, b1c, w2T, b2c, w3T, b3c, w4T, b4c)


def kernel(numerical_features, cat_features, tables, W1, b1, W2, b2, W3, b3, W4, b4):
    idx = jnp.mod(cat_features[:, :, 0], VOCAB)
    tabT = jnp.transpose(tables, (0, 2, 1))
    xT = _sc_gather_t(tabT, idx)
    numT = numerical_features.T
    outT = _mlp_t(
        xT,
        numT,
        W1[:CAT_DIM].T,
        W1[CAT_DIM:].T,
        b1.reshape(-1, 1),
        W2.T,
        b2.reshape(-1, 1),
        W3.T,
        b3.reshape(-1, 1),
        W4.T,
        b4.reshape(-1, 1),
    )
    return outT.reshape(B, 1)

# --- scband reference (transcript-rebuilt; emitter-appended) ---
"""Pipeline reference for scband-embedding-model-54760833024615 (READ-ONLY COPY).

The authoritative reference and input builder live on the scoring server;
editing this copy changes nothing except your own understanding.
"""

import jax, jax.numpy as jnp
import numpy as np

VOCAB = 100000
EDIM = 32
NTAB = 26
B = 16384
NUM_DENSE = 13
CONCAT_DIM = NTAB * EDIM + NUM_DENSE  # 845


def setup_inputs(seed: int = 0) -> dict:
    key = jax.random.key(seed)
    ks = jax.random.split(key, 12)
    numerical_features = jax.random.normal(ks[0], (B, NUM_DENSE), dtype=jnp.float32)
    cat_features = jax.random.randint(ks[1], (NTAB, B, 1), 0, VOCAB, dtype=jnp.int32)
    # Learned params: 26 embedding tables stacked, plus MLP [512, 256, 128, 1]
    tables = jax.random.normal(ks[2], (NTAB, VOCAB, EDIM), dtype=jnp.float32) * 0.05
    W1 = jax.random.normal(ks[3], (CONCAT_DIM, 512), dtype=jnp.float32) * (1.0 / np.sqrt(CONCAT_DIM))
    b1 = jnp.zeros((512,), dtype=jnp.float32)
    W2 = jax.random.normal(ks[4], (512, 256), dtype=jnp.float32) * (1.0 / np.sqrt(512))
    b2 = jnp.zeros((256,), dtype=jnp.float32)
    W3 = jax.random.normal(ks[5], (256, 128), dtype=jnp.float32) * (1.0 / np.sqrt(256))
    b3 = jnp.zeros((128,), dtype=jnp.float32)
    W4 = jax.random.normal(ks[6], (128, 1), dtype=jnp.float32) * (1.0 / np.sqrt(128))
    b4 = jnp.zeros((1,), dtype=jnp.float32)
    return {"numerical_features": numerical_features, "cat_features": cat_features,
            "tables": tables, "W1": W1, "b1": b1, "W2": W2, "b2": b2,
            "W3": W3, "b3": b3, "W4": W4, "b4": b4}


def reference(numerical_features, cat_features, tables, W1, b1, W2, b2, W3, b3, W4, b4):
    # IntegerLookup: map raw ids into [0, vocab)
    idx = jnp.mod(cat_features, VOCAB)  # [NTAB, B, 1]
    # Per-table embedding gather + squeeze(axis=1)
    embs = jax.vmap(lambda tab, ix: jnp.take(tab, ix[:, 0], axis=0))(tables, idx)  # [NTAB, B, EDIM]
    cat_out = jnp.transpose(embs, (1, 0, 2)).reshape(B, NTAB * EDIM)  # concat of per-table outputs along dim 1
    x = jnp.concatenate([cat_out, numerical_features], axis=1)  # [B, 845]
    h = jax.nn.relu(x @ W1 + b1)
    h = jax.nn.relu(h @ W2 + b2)
    h = jax.nn.relu(h @ W3 + b3)
    out = h @ W4 + b4
    return out

if __name__ == "__main__":
    import jax
    _d = setup_inputs()
    print(jax.jit(kernel)(*tuple(_d.values())))

</pallas_src>

<mosaic_0001>
#map = affine_map<(d0, d1) -> (0, 0, 0)>
#map1 = affine_map<(d0, d1) -> (0, 0)>
module attributes {stable_mosaic.version = 14 : i64} {
  func.func @gather_kernel(%arg0: i32, %arg1: i32, %arg2: memref<26x32x100000xf32, #tpu.memory_space<hbm>>, %arg3: memref<26x16384xi32, #tpu.memory_space<hbm>>, %arg4: memref<832x16384xf32, #tpu.memory_space<hbm>>, %arg5: memref<100000xf32, #tpu.memory_space<vmem>>, %arg6: memref<16384xi32, #tpu.memory_space<vmem>>, %arg7: memref<4096xf32, #tpu.memory_space<vmem>>, %arg8: memref<4096xf32, #tpu.memory_space<vmem>>, %arg9: memref<!tpu.dma_semaphore, #tpu.memory_space<semaphore_mem>>, %arg10: memref<!tpu.dma_semaphore, #tpu.memory_space<semaphore_mem>>, %arg11: memref<!tpu.dma_semaphore, #tpu.memory_space<semaphore_mem>>) attributes {dimension_semantics = [#tpu.dimension_semantics<core_parallel>, #tpu.dimension_semantics<subcore_parallel>], iteration_bounds = array<i64: 2, 16>, scalar_prefetch = 0 : i64, scratch_operands = 7 : i64, tpu.core_type = #tpu.core_type<sc_vector_subcore>, window_params = [{transform_indices = #map}, {transform_indices = #map1}, {transform_indices = #map1}]} {
    %mul3A = arith.constant 2 : i32
    %mul3A_0 = arith.muli %arg1, %mul3A : i32
    %add3A = arith.addi %mul3A_0, %arg0 : i32
    %rem3A = arith.constant 16 : i32
    %rem3A_1 = arith.remsi %add3A, %rem3A : i32
    %jit3A = arith.constant 16 : i32
    %div3A = arith.divsi %add3A, %jit3A : i32
    %sign3A = arith.constant 0 : i32
    %sign3A_2 = arith.cmpi sgt, %add3A, %sign3A : i32
    %sign3A_3 = arith.extui %sign3A_2 : i1 to i32
    %sign3A_4 = arith.constant 0 : i32
    %sign3A_5 = arith.cmpi slt, %add3A, %sign3A_4 : i32
    %sign3A_6 = arith.extui %sign3A_5 : i1 to i32
    %sign3A_7 = arith.subi %sign3A_3, %sign3A_6 : i32
    %sign3A_8 = arith.constant 0 : i32
    %sign3A_9 = arith.cmpi sgt, %jit3A, %sign3A_8 : i32
    %sign3A_10 = arith.extui %sign3A_9 : i1 to i32
    %sign3A_11 = arith.constant 0 : i32
    %sign3A_12 = arith.cmpi slt, %jit3A, %sign3A_11 : i32
    %sign3A_13 = arith.extui %sign3A_12 : i1 to i32
    %sign3A_14 = arith.subi %sign3A_10, %sign3A_13 : i32
    %ne3A = arith.cmpi ne, %sign3A_7, %sign3A_14 : i32
    %rem3A_15 = arith.remsi %add3A, %jit3A : i32
    %ne3A_16 = arith.constant 0 : i32
    %ne3A_17 = arith.cmpi ne, %rem3A_15, %ne3A_16 : i32
    %and3A = arith.andi %ne3A, %ne3A_17 : i1
    %sub3A = arith.constant 1 : i32
    %sub3A_18 = arith.subi %div3A, %sub3A : i32
    %select_n3A = arith.select %and3A, %sub3A_18, %div3A : i32
    %mul3A_19 = arith.constant 13 : i32
    %mul3A_20 = arith.muli %rem3A_1, %mul3A_19 : i32
    %jit3A_21 = arith.constant 16 : i32
    %div3A_22 = arith.divsi %mul3A_20, %jit3A_21 : i32
    %sign3A_23 = arith.constant 0 : i32
    %sign3A_24 = arith.cmpi sgt, %mul3A_20, %sign3A_23 : i32
    %sign3A_25 = arith.extui %sign3A_24 : i1 to i32
    %sign3A_26 = arith.constant 0 : i32
    %sign3A_27 = arith.cmpi slt, %mul3A_20, %sign3A_26 : i32
    %sign3A_28 = arith.extui %sign3A_27 : i1 to i32
    %sign3A_29 = arith.subi %sign3A_25, %sign3A_28 : i32
    %sign3A_30 = arith.constant 0 : i32
    %sign3A_31 = arith.cmpi sgt, %jit3A_21, %sign3A_30 : i32
    %sign3A_32 = arith.extui %sign3A_31 : i1 to i32
    %sign3A_33 = arith.constant 0 : i32
    %sign3A_34 = arith.cmpi slt, %jit3A_21, %sign3A_33 : i32
    %sign3A_35 = arith.extui %sign3A_34 : i1 to i32
    %sign3A_36 = arith.subi %sign3A_32, %sign3A_35 : i32
    %ne3A_37 = arith.cmpi ne, %sign3A_29, %sign3A_36 : i32
    %rem3A_38 = arith.remsi %mul3A_20, %jit3A_21 : i32
    %ne3A_39 = arith.constant 0 : i32
    %ne3A_40 = arith.cmpi ne, %rem3A_38, %ne3A_39 : i32
    %and3A_41 = arith.andi %ne3A_37, %ne3A_40 : i1
    %sub3A_42 = arith.constant 1 : i32
    %sub3A_43 = arith.subi %div3A_22, %sub3A_42 : i32
    %select_n3A_44 = arith.select %and3A_41, %sub3A_43, %div3A_22 : i32
    %mul3A_45 = arith.constant 13 : i32
    %mul3A_46 = arith.muli %select_n3A, %mul3A_45 : i32
    %add3A_47 = arith.addi %mul3A_46, %select_n3A_44 : i32
    %dma_start3A = arith.constant 0 : i32
    %dma_start3A_48 = tpu.memref_slice %arg3[%add3A_47, %dma_start3A] : memref<26x16384xi32, #tpu.memory_space<hbm>> -> memref<1x16384xi32, #tpu.memory_space<hbm>>
    %dma_start3A_49 = tpu.memref_squeeze %dma_start3A_48 : memref<1x16384xi32, #tpu.memory_space<hbm>> -> memref<16384xi32, #tpu.memory_space<hbm>>
    %dma_start3A_50 = arith.constant 0 : i32
    %dma_start3A_51 = tpu.memref_slice %arg3[%add3A_47, %dma_start3A_50] : memref<26x16384xi32, #tpu.memory_space<hbm>> -> memref<1x16384xi32, #tpu.memory_space<hbm>>
    %dma_start3A_52 = tpu.memref_squeeze %dma_start3A_51 : memref<1x16384xi32, #tpu.memory_space<hbm>> -> memref<16384xi32, #tpu.memory_space<hbm>>
    tpu.enqueue_dma source(%dma_start3A_52 : memref<16384xi32, #tpu.memory_space<hbm>>) target(%arg6 : memref<16384xi32, #tpu.memory_space<vmem>>) target_semaphore(%arg9 : memref<!tpu.dma_semaphore, #tpu.memory_space<semaphore_mem>>)
    %scan3A = arith.constant 0 : i32
    %scan3A_53 = arith.constant 13 : i32
    %scan3A_54 = arith.addi %scan3A, %scan3A_53 : i32
    %scan3A_55 = arith.constant 1 : i32
    scf.for %scan3A_70 = %scan3A to %scan3A_54 step %scan3A_55  : i32 {
      %mul3A_71 = arith.constant 1 : i32
      %mul3A_72 = arith.muli %scan3A_70, %mul3A_71 : i32
      %add3A_73 = arith.constant 0 : i32
      %add3A_74 = arith.addi %add3A_73, %mul3A_72 : i32
      %mul3A_75 = arith.constant 13 : i32
      %mul3A_76 = arith.muli %select_n3A, %mul3A_75 : i32
      %add3A_77 = arith.addi %select_n3A_44, %add3A_74 : i32
      %rem3A_78 = arith.constant 13 : i32
      %rem3A_79 = arith.remsi %add3A_77, %rem3A_78 : i32
      %add3A_80 = arith.addi %mul3A_76, %rem3A_79 : i32
      %mul3A_81 = arith.constant 2 : i32
      %mul3A_82 = arith.muli %rem3A_1, %mul3A_81 : i32
      %add3A_83 = arith.constant 0 : i32
      %add3A_84 = arith.addi %mul3A_82, %add3A_83 : i32
      "tpu.region"() ({
        %run_scoped3A = tpu.sem_alloc : memref<!tpu.dma_semaphore, #tpu.memory_space<semaphore_mem>>
        %dma_start3A_244 = arith.constant 0 : i32
        %dma_start3A_245 = tpu.memref_slice %arg2[%add3A_80, %add3A_84, %dma_start3A_244] : memref<26x32x100000xf32, #tpu.memory_space<hbm>> -> memref<1x1x100000xf32, #tpu.memory_space<hbm>>
        %dma_start3A_246 = tpu.memref_squeeze %dma_start3A_245 : memref<1x1x100000xf32, #tpu.memory_space<hbm>> -> memref<100000xf32, #tpu.memory_space<hbm>>
        %dma_start3A_247 = arith.constant 0 : i32
        %dma_start3A_248 = tpu.memref_slice %arg2[%add3A_80, %add3A_84, %dma_start3A_247] : memref<26x32x100000xf32, #tpu.memory_space<hbm>> -> memref<1x1x100000xf32, #tpu.memory_space<hbm>>
        %dma_start3A_249 = tpu.memref_squeeze %dma_start3A_248 : memref<1x1x100000xf32, #tpu.memory_space<hbm>> -> memref<100000xf32, #tpu.memory_space<hbm>>
        tpu.enqueue_dma source(%dma_start3A_249 : memref<100000xf32, #tpu.memory_space<hbm>>) target(%arg5 : memref<100000xf32, #tpu.memory_space<vmem>>) target_semaphore(%run_scoped3A : memref<!tpu.dma_semaphore, #tpu.memory_space<semaphore_mem>>)
        %dma_wait3A_250 = arith.constant 0 : i32
        %dma_wait3A_251 = tpu.memref_slice %arg2[%add3A_80, %add3A_84, %dma_wait3A_250] : memref<26x32x100000xf32, #tpu.memory_space<hbm>> -> memref<1x1x100000xf32, #tpu.memory_space<hbm>>
        %dma_wait3A_252 = tpu.memref_squeeze %dma_wait3A_251 : memref<1x1x100000xf32, #tpu.memory_space<hbm>> -> memref<100000xf32, #tpu.memory_space<hbm>>
        %dma_wait3A_253 = arith.constant 0 : i32
        %dma_wait3A_254 = tpu.memref_slice %arg2[%add3A_80, %add3A_84, %dma_wait3A_253] : memref<26x32x100000xf32, #tpu.memory_space<hbm>> -> memref<1x1x100000xf32, #tpu.memory_space<hbm>>
        %dma_wait3A_255 = tpu.memref_squeeze %dma_wait3A_254 : memref<1x1x100000xf32, #tpu.memory_space<hbm>> -> memref<100000xf32, #tpu.memory_space<hbm>>
        tpu.wait_dma2 semaphore(%run_scoped3A : memref<!tpu.dma_semaphore, #tpu.memory_space<semaphore_mem>>) src(%dma_wait3A_255 : memref<100000xf32, #tpu.memory_space<hbm>>) dst(%arg5 : memref<100000xf32, #tpu.memory_space<vmem>>)
        tpu.yield
      }) : () -> ()
      %dma_wait3A_85 = arith.constant 0 : i32
      %dma_wait3A_86 = arith.constant 0 : i32
      %dma_wait3A_87 = tpu.memref_slice %arg3[%dma_wait3A_85, %dma_wait3A_86] : memref<26x16384xi32, #tpu.memory_space<hbm>> -> memref<1x16384xi32, #tpu.memory_space<hbm>>
      %dma_wait3A_88 = tpu.memref_squeeze %dma_wait3A_87 : memref<1x16384xi32, #tpu.memory_space<hbm>> -> memref<16384xi32, #tpu.memory_space<hbm>>
      %dma_wait3A_89 = arith.constant 0 : i32
      %dma_wait3A_90 = tpu.memref_slice %arg3[%dma_wait3A_85, %dma_wait3A_89] : memref<26x16384xi32, #tpu.memory_space<hbm>> -> memref<1x16384xi32, #tpu.memory_space<hbm>>
      %dma_wait3A_91 = tpu.memref_squeeze %dma_wait3A_90 : memref<1x16384xi32, #tpu.memory_space<hbm>> -> memref<16384xi32, #tpu.memory_space<hbm>>
      tpu.wait_dma2 semaphore(%arg9 : memref<!tpu.dma_semaphore, #tpu.memory_space<semaphore_mem>>) src(%dma_wait3A_91 : memref<16384xi32, #tpu.memory_space<hbm>>) dst(%arg6 : memref<16384xi32, #tpu.memory_space<vmem>>)
      %gt3A = arith.constant 0 : i32
      %gt3A_92 = arith.cmpi sgt, %add3A_74, %gt3A : i32
      %convert_element_type3A = arith.extui %gt3A_92 : i1 to i32
      %cond3A = arith.constant 0 : i32
      %cond3A_93 = arith.cmpi ne, %convert_element_type3A, %cond3A : i32
      scf.if %cond3A_93 {
        %dma_wait3A_244 = arith.constant 0 : i32
        %dma_wait3A_245 = arith.constant 0 : i32
        %dma_wait3A_246 = tpu.memref_slice %arg4[%dma_wait3A_244, %dma_wait3A_245] : memref<832x16384xf32, #tpu.memory_space<hbm>> -> memref<1x4096xf32, #tpu.memory_space<hbm>>
        %dma_wait3A_247 = tpu.memref_squeeze %dma_wait3A_246 : memref<1x4096xf32, #tpu.memory_space<hbm>> -> memref<4096xf32, #tpu.memory_space<hbm>>
        %dma_wait3A_248 = arith.constant 0 : i32
        %dma_wait3A_249 = tpu.memref_slice %arg4[%dma_wait3A_244, %dma_wait3A_248] : memref<832x16384xf32, #tpu.memory_space<hbm>> -> memref<1x4096xf32, #tpu.memory_space<hbm>>
        %dma_wait3A_250 = tpu.memref_squeeze %dma_wait3A_249 : memref<1x4096xf32, #tpu.memory_space<hbm>> -> memref<4096xf32, #tpu.memory_space<hbm>>
        tpu.wait_dma2 semaphore(%arg10 : memref<!tpu.dma_semaphore, #tpu.memory_space<semaphore_mem>>) src(%arg7 : memref<4096xf32, #tpu.memory_space<vmem>>) dst(%dma_wait3A_250 : memref<4096xf32, #tpu.memory_space<hbm>>)
      } else {
      }
      %parallel_loop3A = arith.constant 0 : i32
      %parallel_loop3A_94 = arith.constant 256 : i32
      %parallel_loop3A_95 = arith.constant 1 : i32
      scf.for %parallel_loop3A_244 = %parallel_loop3A to %parallel_loop3A_94 step %parallel_loop3A_95  : i32 {
        %parallel_loop3A_245 = arith.constant 16 : i32
        %parallel_loop3A_246 = arith.muli %parallel_loop3A_244, %parallel_loop3A_245 : i32
        %parallel_loop3A_247 = arith.constant 0 : i32
        %parallel_loop3A_248 = arith.addi %parallel_loop3A_247, %parallel_loop3A_246 : i32
        %parallel_loop3A_249 = arith.index_cast %parallel_loop3A_248 : i32 to index
        %parallel_loop3A_250 = tpu.vector_load %arg6[%parallel_loop3A_249] {strides = array<i32>} : memref<16384xi32, #tpu.memory_space<vmem>>, vector<16xi32>,
        %parallel_loop3A_251 = tpu.vector_load_idx %arg5[%parallel_loop3A_250] : memref<100000xf32, #tpu.memory_space<vmem>>[vector<16xi32>], vector<16xf32>,
        %parallel_loop3A_252 = arith.constant 16 : i32
        %parallel_loop3A_253 = arith.muli %parallel_loop3A_244, %parallel_loop3A_252 : i32
        %parallel_loop3A_254 = arith.index_cast %parallel_loop3A_253 : i32 to index
        %parallel_loop3A_255 = tpu.vector_load %arg7[%parallel_loop3A_254] {strides = array<i32>} : memref<4096xf32, #tpu.memory_space<vmem>>, vector<16xf32>,
        tpu.vector_store %arg7[%parallel_loop3A_254], %parallel_loop3A_251 {strides = array<i32>} : memref<4096xf32, #tpu.memory_space<vmem>>, vector<16xf32>,
      } {sc.loop_unroll_factor = 16 : i64, sc.parallel_access}
      %mul3A_96 = arith.constant 32 : i32
      %mul3A_97 = arith.muli %add3A_80, %mul3A_96 : i32
      %add3A_98 = arith.addi %mul3A_97, %add3A_84 : i32
      %dma_start3A_99 = arith.constant 0 : i32
      %dma_start3A_100 = tpu.memref_slice %arg4[%add3A_98, %dma_start3A_99] : memref<832x16384xf32, #tpu.memory_space<hbm>> -> memref<1x4096xf32, #tpu.memory_space<hbm>>
      %dma_start3A_101 = tpu.memref_squeeze %dma_start3A_100 : memref<1x4096xf32, #tpu.memory_space<hbm>> -> memref<4096xf32, #tpu.memory_space<hbm>>
      %dma_start3A_102 = arith.constant 0 : i32
      %dma_start3A_103 = tpu.memref_slice %arg4[%add3A_98, %dma_start3A_102] : memref<832x16384xf32, #tpu.memory_space<hbm>> -> memref<1x4096xf32, #tpu.memory_space<hbm>>
      %dma_start3A_104 = tpu.memref_squeeze %dma_start3A_103 : memref<1x4096xf32, #tpu.memory_space<hbm>> -> memref<4096xf32, #tpu.memory_space<hbm>>
      tpu.enqueue_dma source(%arg7 : memref<4096xf32, #tpu.memory_space<vmem>>) target(%dma_start3A_104 : memref<4096xf32, #tpu.memory_space<hbm>>) target_semaphore(%arg10 : memref<!tpu.dma_semaphore, #tpu.memory_space<semaphore_mem>>)
      %gt3A_105 = arith.constant 0 : i32
      %gt3A_106 = arith.cmpi sgt, %add3A_74, %gt3A_105 : i32
      %convert_element_type3A_107 = arith.extui %gt3A_106 : i1 to i32
      %cond3A_108 = arith.constant 0 : i32
      %cond3A_109 = arith.cmpi ne, %convert_element_type3A_107, %cond3A_108 : i32
      scf.if %cond3A_109 {
        %dma_wait3A_244 = arith.constant 0 : i32
        %dma_wait3A_245 = arith.constant 0 : i32
        %dma_wait3A_246 = tpu.memref_slice %arg4[%dma_wait3A_244, %dma_wait3A_245] : memref<832x16384xf32, #tpu.memory_space<hbm>> -> memref<1x4096xf32, #tpu.memory_space<hbm>>
        %dma_wait3A_247 = tpu.memref_squeeze %dma_wait3A_246 : memref<1x4096xf32, #tpu.memory_space<hbm>> -> memref<4096xf32, #tpu.memory_space<hbm>>
        %dma_wait3A_248 = arith.constant 0 : i32
        %dma_wait3A_249 = tpu.memref_slice %arg4[%dma_wait3A_244, %dma_wait3A_248] : memref<832x16384xf32, #tpu.memory_space<hbm>> -> memref<1x4096xf32, #tpu.memory_space<hbm>>
        %dma_wait3A_250 = tpu.memref_squeeze %dma_wait3A_249 : memref<1x4096xf32, #tpu.memory_space<hbm>> -> memref<4096xf32, #tpu.memory_space<hbm>>
        tpu.wait_dma2 semaphore(%arg11 : memref<!tpu.dma_semaphore, #tpu.memory_space<semaphore_mem>>) src(%arg8 : memref<4096xf32, #tpu.memory_space<vmem>>) dst(%dma_wait3A_250 : memref<4096xf32, #tpu.memory_space<hbm>>)
      } else {
      }
      %parallel_loop3A_110 = arith.constant 0 : i32
      %parallel_loop3A_111 = arith.constant 256 : i32
      %parallel_loop3A_112 = arith.constant 1 : i32
      scf.for %parallel_loop3A_244 = %parallel_loop3A_110 to %parallel_loop3A_111 step %parallel_loop3A_112  : i32 {
        %parallel_loop3A_245 = arith.constant 16 : i32
        %parallel_loop3A_246 = arith.muli %parallel_loop3A_244, %parallel_loop3A_245 : i32
        %parallel_loop3A_247 = arith.constant 4096 : i32
        %parallel_loop3A_248 = arith.addi %parallel_loop3A_247, %parallel_loop3A_246 : i32
        %parallel_loop3A_249 = arith.index_cast %parallel_loop3A_248 : i32 to index
        %parallel_loop3A_250 = tpu.vector_load %arg6[%parallel_loop3A_249] {strides = array<i32>} : memref<16384xi32, #tpu.memory_space<vmem>>, vector<16xi32>,
        %parallel_loop3A_251 = tpu.vector_load_idx %arg5[%parallel_loop3A_250] : memref<100000xf32, #tpu.memory_space<vmem>>[vector<16xi32>], vector<16xf32>,
        %parallel_loop3A_252 = arith.constant 16 : i32
        %parallel_loop3A_253 = arith.muli %parallel_loop3A_244, %parallel_loop3A_252 : i32
        %parallel_loop3A_254 = arith.index_cast %parallel_loop3A_253 : i32 to index
        %parallel_loop3A_255 = tpu.vector_load %arg8[%parallel_loop3A_254] {strides = array<i32>} : memref<4096xf32, #tpu.memory_space<vmem>>, vector<16xf32>,
        tpu.vector_store %arg8[%parallel_loop3A_254], %parallel_loop3A_251 {strides = array<i32>} : memref<4096xf32, #tpu.memory_space<vmem>>, vector<16xf32>,
      } {sc.loop_unroll_factor = 16 : i64, sc.parallel_access}
      %mul3A_113 = arith.constant 32 : i32
      %mul3A_114 = arith.muli %add3A_80, %mul3A_113 : i32
      %add3A_115 = arith.addi %mul3A_114, %add3A_84 : i32
      %dma_start3A_116 = arith.constant 4096 : i32
      %dma_start3A_117 = tpu.memref_slice %arg4[%add3A_115, %dma_start3A_116] : memref<832x16384xf32, #tpu.memory_space<hbm>> -> memref<1x4096xf32, #tpu.memory_space<hbm>>
      %dma_start3A_118 = tpu.memref_squeeze %dma_start3A_117 : memref<1x4096xf32, #tpu.memory_space<hbm>> -> memref<4096xf32, #tpu.memory_space<hbm>>
      %dma_start3A_119 = arith.constant 4096 : i32
      %dma_start3A_120 = tpu.memref_slice %arg4[%add3A_115, %dma_start3A_119] : memref<832x16384xf32, #tpu.memory_space<hbm>> -> memref<1x4096xf32, #tpu.memory_space<hbm>>
      %dma_start3A_121 = tpu.memref_squeeze %dma_start3A_120 : memref<1x4096xf32, #tpu.memory_space<hbm>> -> memref<4096xf32, #tpu.memory_space<hbm>>
      tpu.enqueue_dma source(%arg8 : memref<4096xf32, #tpu.memory_space<vmem>>) target(%dma_start3A_121 : memref<4096xf32, #tpu.memory_space<hbm>>) target_semaphore(%arg11 : memref<!tpu.dma_semaphore, #tpu.memory_space<semaphore_mem>>)
      %dma_wait3A_122 = arith.constant 0 : i32
      %dma_wait3A_123 = arith.constant 0 : i32
      %dma_wait3A_124 = tpu.memref_slice %arg4[%dma_wait3A_122, %dma_wait3A_123] : memref<832x16384xf32, #tpu.memory_space<hbm>> -> memref<1x4096xf32, #tpu.memory_space<hbm>>
      %dma_wait3A_125 = tpu.memref_squeeze %dma_wait3A_124 : memref<1x4096xf32, #tpu.memory_space<hbm>> -> memref<4096xf32, #tpu.memory_space<hbm>>
      %dma_wait3A_126 = arith.constant 0 : i32
      %dma_wait3A_127 = tpu.memref_slice %arg4[%dma_wait3A_122, %dma_wait3A_126] : memref<832x16384xf32, #tpu.memory_space<hbm>> -> memref<1x4096xf32, #tpu.memory_space<hbm>>
      %dma_wait3A_128 = tpu.memref_squeeze %dma_wait3A_127 : memref<1x4096xf32, #tpu.memory_space<hbm>> -> memref<4096xf32, #tpu.memory_space<hbm>>
      tpu.wait_dma2 semaphore(%arg10 : memref<!tpu.dma_semaphore, #tpu.memory_space<semaphore_mem>>) src(%arg7 : memref<4096xf32, #tpu.memory_space<vmem>>) dst(%dma_wait3A_128 : memref<4096xf32, #tpu.memory_space<hbm>>)
      %parallel_loop3A_129 = arith.constant 0 : i32
      %parallel_loop3A_130 = arith.constant 256 : i32
      %parallel_loop3A_131 = arith.constant 1 : i32
      scf.for %parallel_loop3A_244 = %parallel_loop3A_129 to %parallel_loop3A_130 step %parallel_loop3A_131  : i32 {
        %parallel_loop3A_245 = arith.constant 16 : i32
        %parallel_loop3A_246 = arith.muli %parallel_loop3A_244, %parallel_loop3A_245 : i32
        %parallel_loop3A_247 = arith.constant 8192 : i32
        %parallel_loop3A_248 = arith.addi %parallel_loop3A_247, %parallel_loop3A_246 : i32
        %parallel_loop3A_249 = arith.index_cast %parallel_loop3A_248 : i32 to index
        %parallel_loop3A_250 = tpu.vector_load %arg6[%parallel_loop3A_249] {strides = array<i32>} : memref<16384xi32, #tpu.memory_space<vmem>>, vector<16xi32>,
        %parallel_loop3A_251 = tpu.vector_load_idx %arg5[%parallel_loop3A_250] : memref<100000xf32, #tpu.memory_space<vmem>>[vector<16xi32>], vector<16xf32>,
        %parallel_loop3A_252 = arith.constant 16 : i32
        %parallel_loop3A_253 = arith.muli %parallel_loop3A_244, %parallel_loop3A_252 : i32
        %parallel_loop3A_254 = arith.index_cast %parallel_loop3A_253 : i32 to index
        %parallel_loop3A_255 = tpu.vector_load %arg7[%parallel_loop3A_254] {strides = array<i32>} : memref<4096xf32, #tpu.memory_space<vmem>>, vector<16xf32>,
        tpu.vector_store %arg7[%parallel_loop3A_254], %parallel_loop3A_251 {strides = array<i32>} : memref<4096xf32, #tpu.memory_space<vmem>>, vector<16xf32>,
      } {sc.loop_unroll_factor = 16 : i64, sc.parallel_access}
      %mul3A_132 = arith.constant 32 : i32
      %mul3A_133 = arith.muli %add3A_80, %mul3A_132 : i32
      %add3A_134 = arith.addi %mul3A_133, %add3A_84 : i32
      %dma_start3A_135 = arith.constant 8192 : i32
      %dma_start3A_136 = tpu.memref_slice %arg4[%add3A_134, %dma_start3A_135] : memref<832x16384xf32, #tpu.memory_space<hbm>> -> memref<1x4096xf32, #tpu.memory_space<hbm>>
      %dma_start3A_137 = tpu.memref_squeeze %dma_start3A_136 : memref<1x4096xf32, #tpu.memory_space<hbm>> -> memref<4096xf32, #tpu.memory_space<hbm>>
      %dma_start3A_138 = arith.constant 8192 : i32
      %dma_start3A_139 = tpu.memref_slice %arg4[%add3A_134, %dma_start3A_138] : memref<832x16384xf32, #tpu.memory_space<hbm>> -> memref<1x4096xf32, #tpu.memory_space<hbm>>
      %dma_start3A_140 = tpu.memref_squeeze %dma_start3A_139 : memref<1x4096xf32, #tpu.memory_space<hbm>> -> memref<4096xf32, #tpu.memory_space<hbm>>
      tpu.enqueue_dma source(%arg7 : memref<4096xf32, #tpu.memory_space<vmem>>) target(%dma_start3A_140 : memref<4096xf32, #tpu.memory_space<hbm>>) target_semaphore(%arg10 : memref<!tpu.dma_semaphore, #tpu.memory_space<semaphore_mem>>)
      %dma_wait3A_141 = arith.constant 0 : i32
      %dma_wait3A_142 = arith.constant 0 : i32
      %dma_wait3A_143 = tpu.memref_slice %arg4[%dma_wait3A_141, %dma_wait3A_142] : memref<832x16384xf32, #tpu.memory_space<hbm>> -> memref<1x4096xf32, #tpu.memory_space<hbm>>
      %dma_wait3A_144 = tpu.memref_squeeze %dma_wait3A_143 : memref<1x4096xf32, #tpu.memory_space<hbm>> -> memref<4096xf32, #tpu.memory_space<hbm>>
      %dma_wait3A_145 = arith.constant 0 : i32
      %dma_wait3A_146 = tpu.memref_slice %arg4[%dma_wait3A_141, %dma_wait3A_145] : memref<832x16384xf32, #tpu.memory_space<hbm>> -> memref<1x4096xf32, #tpu.memory_space<hbm>>
      %dma_wait3A_147 = tpu.memref_squeeze %dma_wait3A_146 : memref<1x4096xf32, #tpu.memory_space<hbm>> -> memref<4096xf32, #tpu.memory_space<hbm>>
      tpu.wait_dma2 semaphore(%arg11 : memref<!tpu.dma_semaphore, #tpu.memory_space<semaphore_mem>>) src(%arg8 : memref<4096xf32, #tpu.memory_space<vmem>>) dst(%dma_wait3A_147 : memref<4096xf32, #tpu.memory_space<hbm>>)
      %parallel_loop3A_148 = arith.constant 0 : i32
      %parallel_loop3A_149 = arith.constant 256 : i32
      %parallel_loop3A_150 = arith.constant 1 : i32
      scf.for %parallel_loop3A_244 = %parallel_loop3A_148 to %parallel_loop3A_149 step %parallel_loop3A_150  : i32 {
        %parallel_loop3A_245 = arith.constant 16 : i32
        %parallel_loop3A_246 = arith.muli %parallel_loop3A_244, %parallel_loop3A_245 : i32
        %parallel_loop3A_247 = arith.constant 12288 : i32
        %parallel_loop3A_248 = arith.addi %parallel_loop3A_247, %parallel_loop3A_246 : i32
        %parallel_loop3A_249 = arith.index_cast %parallel_loop3A_248 : i32 to index
        %parallel_loop3A_250 = tpu.vector_load %arg6[%parallel_loop3A_249] {strides = array<i32>} : memref<16384xi32, #tpu.memory_space<vmem>>, vector<16xi32>,
        %parallel_loop3A_251 = tpu.vector_load_idx %arg5[%parallel_loop3A_250] : memref<100000xf32, #tpu.memory_space<vmem>>[vector<16xi32>], vector<16xf32>,
        %parallel_loop3A_252 = arith.constant 16 : i32
        %parallel_loop3A_253 = arith.muli %parallel_loop3A_244, %parallel_loop3A_252 : i32
        %parallel_loop3A_254 = arith.index_cast %parallel_loop3A_253 : i32 to index
        %parallel_loop3A_255 = tpu.vector_load %arg8[%parallel_loop3A_254] {strides = array<i32>} : memref<4096xf32, #tpu.memory_space<vmem>>, vector<16xf32>,
        tpu.vector_store %arg8[%parallel_loop3A_254], %parallel_loop3A_251 {strides = array<i32>} : memref<4096xf32, #tpu.memory_space<vmem>>, vector<16xf32>,
      } {sc.loop_unroll_factor = 16 : i64, sc.parallel_access}
      %mul3A_151 = arith.constant 32 : i32
      %mul3A_152 = arith.muli %add3A_80, %mul3A_151 : i32
      %add3A_153 = arith.addi %mul3A_152, %add3A_84 : i32
      %dma_start3A_154 = arith.constant 12288 : i32
      %dma_start3A_155 = tpu.memref_slice %arg4[%add3A_153, %dma_start3A_154] : memref<832x16384xf32, #tpu.memory_space<hbm>> -> memref<1x4096xf32, #tpu.memory_space<hbm>>
      %dma_start3A_156 = tpu.memref_squeeze %dma_start3A_155 : memref<1x4096xf32, #tpu.memory_space<hbm>> -> memref<4096xf32, #tpu.memory_space<hbm>>
      %dma_start3A_157 = arith.constant 12288 : i32
      %dma_start3A_158 = tpu.memref_slice %arg4[%add3A_153, %dma_start3A_157] : memref<832x16384xf32, #tpu.memory_space<hbm>> -> memref<1x4096xf32, #tpu.memory_space<hbm>>
      %dma_start3A_159 = tpu.memref_squeeze %dma_start3A_158 : memref<1x4096xf32, #tpu.memory_space<hbm>> -> memref<4096xf32, #tpu.memory_space<hbm>>
      tpu.enqueue_dma source(%arg8 : memref<4096xf32, #tpu.memory_space<vmem>>) target(%dma_start3A_159 : memref<4096xf32, #tpu.memory_space<hbm>>) target_semaphore(%arg11 : memref<!tpu.dma_semaphore, #tpu.memory_space<semaphore_mem>>)
      %mul3A_160 = arith.constant 2 : i32
      %mul3A_161 = arith.muli %rem3A_1, %mul3A_160 : i32
      %add3A_162 = arith.constant 1 : i32
      %add3A_163 = arith.addi %mul3A_161, %add3A_162 : i32
      "tpu.region"() ({
        %run_scoped3A = tpu.sem_alloc : memref<!tpu.dma_semaphore, #tpu.memory_space<semaphore_mem>>
        %dma_start3A_244 = arith.constant 0 : i32
        %dma_start3A_245 = tpu.memref_slice %arg2[%add3A_80, %add3A_163, %dma_start3A_244] : memref<26x32x100000xf32, #tpu.memory_space<hbm>> -> memref<1x1x100000xf32, #tpu.memory_space<hbm>>
        %dma_start3A_246 = tpu.memref_squeeze %dma_start3A_245 : memref<1x1x100000xf32, #tpu.memory_space<hbm>> -> memref<100000xf32, #tpu.memory_space<hbm>>
        %dma_start3A_247 = arith.constant 0 : i32
        %dma_start3A_248 = tpu.memref_slice %arg2[%add3A_80, %add3A_163, %dma_start3A_247] : memref<26x32x100000xf32, #tpu.memory_space<hbm>> -> memref<1x1x100000xf32, #tpu.memory_space<hbm>>
        %dma_start3A_249 = tpu.memref_squeeze %dma_start3A_248 : memref<1x1x100000xf32, #tpu.memory_space<hbm>> -> memref<100000xf32, #tpu.memory_space<hbm>>
        tpu.enqueue_dma source(%dma_start3A_249 : memref<100000xf32, #tpu.memory_space<hbm>>) target(%arg5 : memref<100000xf32, #tpu.memory_space<vmem>>) target_semaphore(%run_scoped3A : memref<!tpu.dma_semaphore, #tpu.memory_space<semaphore_mem>>)
        %dma_wait3A_250 = arith.constant 0 : i32
        %dma_wait3A_251 = tpu.memref_slice %arg2[%add3A_80, %add3A_163, %dma_wait3A_250] : memref<26x32x100000xf32, #tpu.memory_space<hbm>> -> memref<1x1x100000xf32, #tpu.memory_space<hbm>>
        %dma_wait3A_252 = tpu.memref_squeeze %dma_wait3A_251 : memref<1x1x100000xf32, #tpu.memory_space<hbm>> -> memref<100000xf32, #tpu.memory_space<hbm>>
        %dma_wait3A_253 = arith.constant 0 : i32
        %dma_wait3A_254 = tpu.memref_slice %arg2[%add3A_80, %add3A_163, %dma_wait3A_253] : memref<26x32x100000xf32, #tpu.memory_space<hbm>> -> memref<1x1x100000xf32, #tpu.memory_space<hbm>>
        %dma_wait3A_255 = tpu.memref_squeeze %dma_wait3A_254 : memref<1x1x100000xf32, #tpu.memory_space<hbm>> -> memref<100000xf32, #tpu.memory_space<hbm>>
        tpu.wait_dma2 semaphore(%run_scoped3A : memref<!tpu.dma_semaphore, #tpu.memory_space<semaphore_mem>>) src(%dma_wait3A_255 : memref<100000xf32, #tpu.memory_space<hbm>>) dst(%arg5 : memref<100000xf32, #tpu.memory_space<vmem>>)
        tpu.yield
      }) : () -> ()
      %dma_wait3A_164 = arith.constant 0 : i32
      %dma_wait3A_165 = arith.constant 0 : i32
      %dma_wait3A_166 = tpu.memref_slice %arg4[%dma_wait3A_164, %dma_wait3A_165] : memref<832x16384xf32, #tpu.memory_space<hbm>> -> memref<1x4096xf32, #tpu.memory_space<hbm>>
      %dma_wait3A_167 = tpu.memref_squeeze %dma_wait3A_166 : memref<1x4096xf32, #tpu.memory_space<hbm>> -> memref<4096xf32, #tpu.memory_space<hbm>>
      %dma_wait3A_168 = arith.constant 0 : i32
      %dma_wait3A_169 = tpu.memref_slice %arg4[%dma_wait3A_164, %dma_wait3A_168] : memref<832x16384xf32, #tpu.memory_space<hbm>> -> memref<1x4096xf32, #tpu.memory_space<hbm>>
      %dma_wait3A_170 = tpu.memref_squeeze %dma_wait3A_169 : memref<1x4096xf32, #tpu.memory_space<hbm>> -> memref<4096xf32, #tpu.memory_space<hbm>>
      tpu.wait_dma2 semaphore(%arg10 : memref<!tpu.dma_semaphore, #tpu.memory_space<semaphore_mem>>) src(%arg7 : memref<4096xf32, #tpu.memory_space<vmem>>) dst(%dma_wait3A_170 : memref<4096xf32, #tpu.memory_space<hbm>>)
      %parallel_loop3A_171 = arith.constant 0 : i32
      %parallel_loop3A_172 = arith.constant 256 : i32
      %parallel_loop3A_173 = arith.constant 1 : i32
      scf.for %parallel_loop3A_244 = %parallel_loop3A_171 to %parallel_loop3A_172 step %parallel_loop3A_173  : i32 {
        %parallel_loop3A_245 = arith.constant 16 : i32
        %parallel_loop3A_246 = arith.muli %parallel_loop3A_244, %parallel_loop3A_245 : i32
        %parallel_loop3A_247 = arith.constant 0 : i32
        %parallel_loop3A_248 = arith.addi %parallel_loop3A_247, %parallel_loop3A_246 : i32
        %parallel_loop3A_249 = arith.index_cast %parallel_loop3A_248 : i32 to index
        %parallel_loop3A_250 = tpu.vector_load %arg6[%parallel_loop3A_249] {strides = array<i32>} : memref<16384xi32, #tpu.memory_space<vmem>>, vector<16xi32>,
        %parallel_loop3A_251 = tpu.vector_load_idx %arg5[%parallel_loop3A_250] : memref<100000xf32, #tpu.memory_space<vmem>>[vector<16xi32>], vector<16xf32>,
        %parallel_loop3A_252 = arith.constant 16 : i32
        %parallel_loop3A_253 = arith.muli %parallel_loop3A_244, %parallel_loop3A_252 : i32
        %parallel_loop3A_254 = arith.index_cast %parallel_loop3A_253 : i32 to index
        %parallel_loop3A_255 = tpu.vector_load %arg7[%parallel_loop3A_254] {strides = array<i32>} : memref<4096xf32, #tpu.memory_space<vmem>>, vector<16xf32>,
        tpu.vector_store %arg7[%parallel_loop3A_254], %parallel_loop3A_251 {strides = array<i32>} : memref<4096xf32, #tpu.memory_space<vmem>>, vector<16xf32>,
      } {sc.loop_unroll_factor = 16 : i64, sc.parallel_access}
      %mul3A_174 = arith.constant 32 : i32
      %mul3A_175 = arith.muli %add3A_80, %mul3A_174 : i32
      %add3A_176 = arith.addi %mul3A_175, %add3A_163 : i32
      %dma_start3A_177 = arith.constant 0 : i32
      %dma_start3A_178 = tpu.memref_slice %arg4[%add3A_176, %dma_start3A_177] : memref<832x16384xf32, #tpu.memory_space<hbm>> -> memref<1x4096xf32, #tpu.memory_space<hbm>>
      %dma_start3A_179 = tpu.memref_squeeze %dma_start3A_178 : memref<1x4096xf32, #tpu.memory_space<hbm>> -> memref<4096xf32, #tpu.memory_space<hbm>>
      %dma_start3A_180 = arith.constant 0 : i32
      %dma_start3A_181 = tpu.memref_slice %arg4[%add3A_176, %dma_start3A_180] : memref<832x16384xf32, #tpu.memory_space<hbm>> -> memref<1x4096xf32, #tpu.memory_space<hbm>>
      %dma_start3A_182 = tpu.memref_squeeze %dma_start3A_181 : memref<1x4096xf32, #tpu.memory_space<hbm>> -> memref<4096xf32, #tpu.memory_space<hbm>>
      tpu.enqueue_dma source(%arg7 : memref<4096xf32, #tpu.memory_space<vmem>>) target(%dma_start3A_182 : memref<4096xf32, #tpu.memory_space<hbm>>) target_semaphore(%arg10 : memref<!tpu.dma_semaphore, #tpu.memory_space<semaphore_mem>>)
      %dma_wait3A_183 = arith.constant 0 : i32
      %dma_wait3A_184 = arith.constant 0 : i32
      %dma_wait3A_185 = tpu.memref_slice %arg4[%dma_wait3A_183, %dma_wait3A_184] : memref<832x16384xf32, #tpu.memory_space<hbm>> -> memref<1x4096xf32, #tpu.memory_space<hbm>>
      %dma_wait3A_186 = tpu.memref_squeeze %dma_wait3A_185 : memref<1x4096xf32, #tpu.memory_space<hbm>> -> memref<4096xf32, #tpu.memory_space<hbm>>
      %dma_wait3A_187 = arith.constant 0 : i32
      %dma_wait3A_188 = tpu.memref_slice %arg4[%dma_wait3A_183, %dma_wait3A_187] : memref<832x16384xf32, #tpu.memory_space<hbm>> -> memref<1x4096xf32, #tpu.memory_space<hbm>>
      %dma_wait3A_189 = tpu.memref_squeeze %dma_wait3A_188 : memref<1x4096xf32, #tpu.memory_space<hbm>> -> memref<4096xf32, #tpu.memory_space<hbm>>
      tpu.wait_dma2 semaphore(%arg11 : memref<!tpu.dma_semaphore, #tpu.memory_space<semaphore_mem>>) src(%arg8 : memref<4096xf32, #tpu.memory_space<vmem>>) dst(%dma_wait3A_189 : memref<4096xf32, #tpu.memory_space<hbm>>)
      %parallel_loop3A_190 = arith.constant 0 : i32
      %parallel_loop3A_191 = arith.constant 256 : i32
      %parallel_loop3A_192 = arith.constant 1 : i32
      scf.for %parallel_loop3A_244 = %parallel_loop3A_190 to %parallel_loop3A_191 step %parallel_loop3A_192  : i32 {
        %parallel_loop3A_245 = arith.constant 16 : i32
        %parallel_loop3A_246 = arith.muli %parallel_loop3A_244, %parallel_loop3A_245 : i32
        %parallel_loop3A_247 = arith.constant 4096 : i32
        %parallel_loop3A_248 = arith.addi %parallel_loop3A_247, %parallel_loop3A_246 : i32
        %parallel_loop3A_249 = arith.index_cast %parallel_loop3A_248 : i32 to index
        %parallel_loop3A_250 = tpu.vector_load %arg6[%parallel_loop3A_249] {strides = array<i32>} : memref<16384xi32, #tpu.memory_space<vmem>>, vector<16xi32>,
        %parallel_loop3A_251 = tpu.vector_load_idx %arg5[%parallel_loop3A_250] : memref<100000xf32, #tpu.memory_space<vmem>>[vector<16xi32>], vector<16xf32>,
        %parallel_loop3A_252 = arith.constant 16 : i32
        %parallel_loop3A_253 = arith.muli %parallel_loop3A_244, %parallel_loop3A_252 : i32
        %parallel_loop3A_254 = arith.index_cast %parallel_loop3A_253 : i32 to index
        %parallel_loop3A_255 = tpu.vector_load %arg8[%parallel_loop3A_254] {strides = array<i32>} : memref<4096xf32, #tpu.memory_space<vmem>>, vector<16xf32>,
        tpu.vector_store %arg8[%parallel_loop3A_254], %parallel_loop3A_251 {strides = array<i32>} : memref<4096xf32, #tpu.memory_space<vmem>>, vector<16xf32>,
      } {sc.loop_unroll_factor = 16 : i64, sc.parallel_access}
      %mul3A_193 = arith.constant 32 : i32
      %mul3A_194 = arith.muli %add3A_80, %mul3A_193 : i32
      %add3A_195 = arith.addi %mul3A_194, %add3A_163 : i32
      %dma_start3A_196 = arith.constant 4096 : i32
      %dma_start3A_197 = tpu.memref_slice %arg4[%add3A_195, %dma_start3A_196] : memref<832x16384xf32, #tpu.memory_space<hbm>> -> memref<1x4096xf32, #tpu.memory_space<hbm>>
      %dma_start3A_198 = tpu.memref_squeeze %dma_start3A_197 : memref<1x4096xf32, #tpu.memory_space<hbm>> -> memref<4096xf32, #tpu.memory_space<hbm>>
      %dma_start3A_199 = arith.constant 4096 : i32
      %dma_start3A_200 = tpu.memref_slice %arg4[%add3A_195, %dma_start3A_199] : memref<832x16384xf32, #tpu.memory_space<hbm>> -> memref<1x4096xf32, #tpu.memory_space<hbm>>
      %dma_start3A_201 = tpu.memref_squeeze %dma_start3A_200 : memref<1x4096xf32, #tpu.memory_space<hbm>> -> memref<4096xf32, #tpu.memory_space<hbm>>
      tpu.enqueue_dma source(%arg8 : memref<4096xf32, #tpu.memory_space<vmem>>) target(%dma_start3A_201 : memref<4096xf32, #tpu.memory_space<hbm>>) target_semaphore(%arg11 : memref<!tpu.dma_semaphore, #tpu.memory_space<semaphore_mem>>)
      %dma_wait3A_202 = arith.constant 0 : i32
      %dma_wait3A_203 = arith.constant 0 : i32
      %dma_wait3A_204 = tpu.memref_slice %arg4[%dma_wait3A_202, %dma_wait3A_203] : memref<832x16384xf32, #tpu.memory_space<hbm>> -> memref<1x4096xf32, #tpu.memory_space<hbm>>
      %dma_wait3A_205 = tpu.memref_squeeze %dma_wait3A_204 : memref<1x4096xf32, #tpu.memory_space<hbm>> -> memref<4096xf32, #tpu.memory_space<hbm>>
      %dma_wait3A_206 = arith.constant 0 : i32
      %dma_wait3A_207 = tpu.memref_slice %arg4[%dma_wait3A_202, %dma_wait3A_206] : memref<832x16384xf32, #tpu.memory_space<hbm>> -> memref<1x4096xf32, #tpu.memory_space<hbm>>
      %dma_wait3A_208 = tpu.memref_squeeze %dma_wait3A_207 : memref<1x4096xf32, #tpu.memory_space<hbm>> -> memref<4096xf32, #tpu.memory_space<hbm>>
      tpu.wait_dma2 semaphore(%arg10 : memref<!tpu.dma_semaphore, #tpu.memory_space<semaphore_mem>>) src(%arg7 : memref<4096xf32, #tpu.memory_space<vmem>>) dst(%dma_wait3A_208 : memref<4096xf32, #tpu.memory_space<hbm>>)
      %parallel_loop3A_209 = arith.constant 0 : i32
      %parallel_loop3A_210 = arith.constant 256 : i32
      %parallel_loop3A_211 = arith.constant 1 : i32
      scf.for %parallel_loop3A_244 = %parallel_loop3A_209 to %parallel_loop3A_210 step %parallel_loop3A_211  : i32 {
        %parallel_loop3A_245 = arith.constant 16 : i32
        %parallel_loop3A_246 = arith.muli %parallel_loop3A_244, %parallel_loop3A_245 : i32
        %parallel_loop3A_247 = arith.constant 8192 : i32
        %parallel_loop3A_248 = arith.addi %parallel_loop3A_247, %parallel_loop3A_246 : i32
        %parallel_loop3A_249 = arith.index_cast %parallel_loop3A_248 : i32 to index
        %parallel_loop3A_250 = tpu.vector_load %arg6[%parallel_loop3A_249] {strides = array<i32>} : memref<16384xi32, #tpu.memory_space<vmem>>, vector<16xi32>,
        %parallel_loop3A_251 = tpu.vector_load_idx %arg5[%parallel_loop3A_250] : memref<100000xf32, #tpu.memory_space<vmem>>[vector<16xi32>], vector<16xf32>,
        %parallel_loop3A_252 = arith.constant 16 : i32
        %parallel_loop3A_253 = arith.muli %parallel_loop3A_244, %parallel_loop3A_252 : i32
        %parallel_loop3A_254 = arith.index_cast %parallel_loop3A_253 : i32 to index
        %parallel_loop3A_255 = tpu.vector_load %arg7[%parallel_loop3A_254] {strides = array<i32>} : memref<4096xf32, #tpu.memory_space<vmem>>, vector<16xf32>,
        tpu.vector_store %arg7[%parallel_loop3A_254], %parallel_loop3A_251 {strides = array<i32>} : memref<4096xf32, #tpu.memory_space<vmem>>, vector<16xf32>,
      } {sc.loop_unroll_factor = 16 : i64, sc.parallel_access}
      %mul3A_212 = arith.constant 32 : i32
      %mul3A_213 = arith.muli %add3A_80, %mul3A_212 : i32
      %add3A_214 = arith.addi %mul3A_213, %add3A_163 : i32
      %dma_start3A_215 = arith.constant 8192 : i32
      %dma_start3A_216 = tpu.memref_slice %arg4[%add3A_214, %dma_start3A_215] : memref<832x16384xf32, #tpu.memory_space<hbm>> -> memref<1x4096xf32, #tpu.memory_space<hbm>>
      %dma_start3A_217 = tpu.memref_squeeze %dma_start3A_216 : memref<1x4096xf32, #tpu.memory_space<hbm>> -> memref<4096xf32, #tpu.memory_space<hbm>>
      %dma_start3A_218 = arith.constant 8192 : i32
      %dma_start3A_219 = tpu.memref_slice %arg4[%add3A_214, %dma_start3A_218] : memref<832x16384xf32, #tpu.memory_space<hbm>> -> memref<1x4096xf32, #tpu.memory_space<hbm>>
      %dma_start3A_220 = tpu.memref_squeeze %dma_start3A_219 : memref<1x4096xf32, #tpu.memory_space<hbm>> -> memref<4096xf32, #tpu.memory_space<hbm>>
      tpu.enqueue_dma source(%arg7 : memref<4096xf32, #tpu.memory_space<vmem>>) target(%dma_start3A_220 : memref<4096xf32, #tpu.memory_space<hbm>>) target_semaphore(%arg10 : memref<!tpu.dma_semaphore, #tpu.memory_space<semaphore_mem>>)
      %dma_wait3A_221 = arith.constant 0 : i32
      %dma_wait3A_222 = arith.constant 0 : i32
      %dma_wait3A_223 = tpu.memref_slice %arg4[%dma_wait3A_221, %dma_wait3A_222] : memref<832x16384xf32, #tpu.memory_space<hbm>> -> memref<1x4096xf32, #tpu.memory_space<hbm>>
      %dma_wait3A_224 = tpu.memref_squeeze %dma_wait3A_223 : memref<1x4096xf32, #tpu.memory_space<hbm>> -> memref<4096xf32, #tpu.memory_space<hbm>>
      %dma_wait3A_225 = arith.constant 0 : i32
      %dma_wait3A_226 = tpu.memref_slice %arg4[%dma_wait3A_221, %dma_wait3A_225] : memref<832x16384xf32, #tpu.memory_space<hbm>> -> memref<1x4096xf32, #tpu.memory_space<hbm>>
      %dma_wait3A_227 = tpu.memref_squeeze %dma_wait3A_226 : memref<1x4096xf32, #tpu.memory_space<hbm>> -> memref<4096xf32, #tpu.memory_space<hbm>>
      tpu.wait_dma2 semaphore(%arg11 : memref<!tpu.dma_semaphore, #tpu.memory_space<semaphore_mem>>) src(%arg8 : memref<4096xf32, #tpu.memory_space<vmem>>) dst(%dma_wait3A_227 : memref<4096xf32, #tpu.memory_space<hbm>>)
      %parallel_loop3A_228 = arith.constant 0 : i32
      %parallel_loop3A_229 = arith.constant 256 : i32
      %parallel_loop3A_230 = arith.constant 1 : i32
      scf.for %parallel_loop3A_244 = %parallel_loop3A_228 to %parallel_loop3A_229 step %parallel_loop3A_230  : i32 {
        %parallel_loop3A_245 = arith.constant 16 : i32
        %parallel_loop3A_246 = arith.muli %parallel_loop3A_244, %parallel_loop3A_245 : i32
        %parallel_loop3A_247 = arith.constant 12288 : i32
        %parallel_loop3A_248 = arith.addi %parallel_loop3A_247, %parallel_loop3A_246 : i32
        %parallel_loop3A_249 = arith.index_cast %parallel_loop3A_248 : i32 to index
        %parallel_loop3A_250 = tpu.vector_load %arg6[%parallel_loop3A_249] {strides = array<i32>} : memref<16384xi32, #tpu.memory_space<vmem>>, vector<16xi32>,
        %parallel_loop3A_251 = tpu.vector_load_idx %arg5[%parallel_loop3A_250] : memref<100000xf32, #tpu.memory_space<vmem>>[vector<16xi32>], vector<16xf32>,
        %parallel_loop3A_252 = arith.constant 16 : i32
        %parallel_loop3A_253 = arith.muli %parallel_loop3A_244, %parallel_loop3A_252 : i32
        %parallel_loop3A_254 = arith.index_cast %parallel_loop3A_253 : i32 to index
        %parallel_loop3A_255 = tpu.vector_load %arg8[%parallel_loop3A_254] {strides = array<i32>} : memref<4096xf32, #tpu.memory_space<vmem>>, vector<16xf32>,
        tpu.vector_store %arg8[%parallel_loop3A_254], %parallel_loop3A_251 {strides = array<i32>} : memref<4096xf32, #tpu.memory_space<vmem>>, vector<16xf32>,
      } {sc.loop_unroll_factor = 16 : i64, sc.parallel_access}
      %mul3A_231 = arith.constant 32 : i32
      %mul3A_232 = arith.muli %add3A_80, %mul3A_231 : i32
      %add3A_233 = arith.addi %mul3A_232, %add3A_163 : i32
      %dma_start3A_234 = arith.constant 12288 : i32
      %dma_start3A_235 = tpu.memref_slice %arg4[%add3A_233, %dma_start3A_234] : memref<832x16384xf32, #tpu.memory_space<hbm>> -> memref<1x4096xf32, #tpu.memory_space<hbm>>
      %dma_start3A_236 = tpu.memref_squeeze %dma_start3A_235 : memref<1x4096xf32, #tpu.memory_space<hbm>> -> memref<4096xf32, #tpu.memory_space<hbm>>
      %dma_start3A_237 = arith.constant 12288 : i32
      %dma_start3A_238 = tpu.memref_slice %arg4[%add3A_233, %dma_start3A_237] : memref<832x16384xf32, #tpu.memory_space<hbm>> -> memref<1x4096xf32, #tpu.memory_space<hbm>>
      %dma_start3A_239 = tpu.memref_squeeze %dma_start3A_238 : memref<1x4096xf32, #tpu.memory_space<hbm>> -> memref<4096xf32, #tpu.memory_space<hbm>>
      tpu.enqueue_dma source(%arg8 : memref<4096xf32, #tpu.memory_space<vmem>>) target(%dma_start3A_239 : memref<4096xf32, #tpu.memory_space<hbm>>) target_semaphore(%arg11 : memref<!tpu.dma_semaphore, #tpu.memory_space<semaphore_mem>>)
      %lt3A = arith.constant 12 : i32
      %lt3A_240 = arith.cmpi slt, %add3A_74, %lt3A : i32
      %convert_element_type3A_241 = arith.extui %lt3A_240 : i1 to i32
      %cond3A_242 = arith.constant 0 : i32
      %cond3A_243 = arith.cmpi ne, %convert_element_type3A_241, %cond3A_242 : i32
      scf.if %cond3A_243 {
        %mul3A_244 = arith.constant 13 : i32
        %mul3A_245 = arith.muli %select_n3A, %mul3A_244 : i32
        %add3A_246 = arith.addi %select_n3A_44, %add3A_74 : i32
        %add3A_247 = arith.constant 1 : i32
        %add3A_248 = arith.addi %add3A_246, %add3A_247 : i32
        %rem3A_249 = arith.constant 13 : i32
        %rem3A_250 = arith.remsi %add3A_248, %rem3A_249 : i32
        %add3A_251 = arith.addi %mul3A_245, %rem3A_250 : i32
        %dma_start3A_252 = arith.constant 0 : i32
        %dma_start3A_253 = tpu.memref_slice %arg3[%add3A_251, %dma_start3A_252] : memref<26x16384xi32, #tpu.memory_space<hbm>> -> memref<1x16384xi32, #tpu.memory_space<hbm>>
        %dma_start3A_254 = tpu.memref_squeeze %dma_start3A_253 : memref<1x16384xi32, #tpu.memory_space<hbm>> -> memref<16384xi32, #tpu.memory_space<hbm>>
        %dma_start3A_255 = arith.constant 0 : i32
        %dma_start3A_256 = tpu.memref_slice %arg3[%add3A_251, %dma_start3A_255] : memref<26x16384xi32, #tpu.memory_space<hbm>> -> memref<1x16384xi32, #tpu.memory_space<hbm>>
        %dma_start3A_257 = tpu.memref_squeeze %dma_start3A_256 : memref<1x16384xi32, #tpu.memory_space<hbm>> -> memref<16384xi32, #tpu.memory_space<hbm>>
        tpu.enqueue_dma source(%dma_start3A_257 : memref<16384xi32, #tpu.memory_space<hbm>>) target(%arg6 : memref<16384xi32, #tpu.memory_space<vmem>>) target_semaphore(%arg9 : memref<!tpu.dma_semaphore, #tpu.memory_space<semaphore_mem>>)
      } else {
      }
    }
    %scan3A_56 = arith.constant 13 : i32
    %dma_wait3A = arith.constant 0 : i32
    %dma_wait3A_57 = arith.constant 0 : i32
    %dma_wait3A_58 = tpu.memref_slice %arg4[%dma_wait3A, %dma_wait3A_57] : memref<832x16384xf32, #tpu.memory_space<hbm>> -> memref<1x4096xf32, #tpu.memory_space<hbm>>
    %dma_wait3A_59 = tpu.memref_squeeze %dma_wait3A_58 : memref<1x4096xf32, #tpu.memory_space<hbm>> -> memref<4096xf32, #tpu.memory_space<hbm>>
    %dma_wait3A_60 = arith.constant 0 : i32
    %dma_wait3A_61 = tpu.memref_slice %arg4[%dma_wait3A, %dma_wait3A_60] : memref<832x16384xf32, #tpu.memory_space<hbm>> -> memref<1x4096xf32, #tpu.memory_space<hbm>>
    %dma_wait3A_62 = tpu.memref_squeeze %dma_wait3A_61 : memref<1x4096xf32, #tpu.memory_space<hbm>> -> memref<4096xf32, #tpu.memory_space<hbm>>
    tpu.wait_dma2 semaphore(%arg10 : memref<!tpu.dma_semaphore, #tpu.memory_space<semaphore_mem>>) src(%arg7 : memref<4096xf32, #tpu.memory_space<vmem>>) dst(%dma_wait3A_62 : memref<4096xf32, #tpu.memory_space<hbm>>)
    %dma_wait3A_63 = arith.constant 0 : i32
    %dma_wait3A_64 = arith.constant 0 : i32
    %dma_wait3A_65 = tpu.memref_slice %arg4[%dma_wait3A_63, %dma_wait3A_64] : memref<832x16384xf32, #tpu.memory_space<hbm>> -> memref<1x4096xf32, #tpu.memory_space<hbm>>
    %dma_wait3A_66 = tpu.memref_squeeze %dma_wait3A_65 : memref<1x4096xf32, #tpu.memory_space<hbm>> -> memref<4096xf32, #tpu.memory_space<hbm>>
    %dma_wait3A_67 = arith.constant 0 : i32
    %dma_wait3A_68 = tpu.memref_slice %arg4[%dma_wait3A_63, %dma_wait3A_67] : memref<832x16384xf32, #tpu.memory_space<hbm>> -> memref<1x4096xf32, #tpu.memory_space<hbm>>
    %dma_wait3A_69 = tpu.memref_squeeze %dma_wait3A_68 : memref<1x4096xf32, #tpu.memory_space<hbm>> -> memref<4096xf32, #tpu.memory_space<hbm>>
    tpu.wait_dma2 semaphore(%arg11 : memref<!tpu.dma_semaphore, #tpu.memory_space<semaphore_mem>>) src(%arg8 : memref<4096xf32, #tpu.memory_space<vmem>>) dst(%dma_wait3A_69 : memref<4096xf32, #tpu.memory_space<hbm>>)
    return
  }
}

module attributes {stable_mosaic.version = 14 : i64} {
  func.func @_mlp_t_body(%arg0: i32, %arg1: memref<832x2048xf32, #tpu.memory_space<vmem>>, %arg2: memref<13x2048xf32, #tpu.memory_space<vmem>>, %arg3: memref<512x832xf32, #tpu.memory_space<vmem>>, %arg4: memref<512x13xf32, #tpu.memory_space<vmem>>, %arg5: memref<512x1xf32, #tpu.memory_space<vmem>>, %arg6: memref<256x512xf32, #tpu.memory_space<vmem>>, %arg7: memref<256x1xf32, #tpu.memory_space<vmem>>, %arg8: memref<128x256xf32, #tpu.memory_space<vmem>>, %arg9: memref<128x1xf32, #tpu.memory_space<vmem>>, %arg10: memref<1x128xf32, #tpu.memory_space<vmem>>, %arg11: memref<1x1xf32, #tpu.memory_space<vmem>>, %arg12: memref<1x2048xf32, #tpu.memory_space<vmem>>) attributes {dimension_semantics = [#tpu.dimension_semantics<arbitrary>], iteration_bounds = array<i64: 8>, scalar_prefetch = 0 : i64, scratch_operands = 0 : i64, tpu.core_type = #tpu.core_type<tc>, window_params = [{transform_indices = @transform_0, window_bounds = array<i64: 832, 2048>}, {transform_indices = @transform_1, window_bounds = array<i64: 13, 2048>}, {pipeline_mode = #tpu.pipeline_mode<synchronous>, transform_indices = @transform_2, window_bounds = array<i64: 512, 832>}, {pipeline_mode = #tpu.pipeline_mode<synchronous>, transform_indices = @transform_3, window_bounds = array<i64: 512, 13>}, {pipeline_mode = #tpu.pipeline_mode<synchronous>, transform_indices = @transform_4, window_bounds = array<i64: 512, 1>}, {pipeline_mode = #tpu.pipeline_mode<synchronous>, transform_indices = @transform_5, window_bounds = array<i64: 256, 512>}, {pipeline_mode = #tpu.pipeline_mode<synchronous>, transform_indices = @transform_6, window_bounds = array<i64: 256, 1>}, {pipeline_mode = #tpu.pipeline_mode<synchronous>, transform_indices = @transform_7, window_bounds = array<i64: 128, 256>}, {pipeline_mode = #tpu.pipeline_mode<synchronous>, transform_indices = @transform_8, window_bounds = array<i64: 128, 1>}, {pipeline_mode = #tpu.pipeline_mode<synchronous>, transform_indices = @transform_9, window_bounds = array<i64: 1, 128>}, {pipeline_mode = #tpu.pipeline_mode<synchronous>, transform_indices = @transform_10, window_bounds = array<i64: 1, 1>}, {transform_indices = @transform_11, window_bounds = array<i64: 1, 2048>}]} {
    %get3A = arith.constant 0 : index
    %get3A_0 = arith.constant 0 : index
    %get3A_1 = vector.load %arg3[%get3A, %get3A_0] : memref<512x832xf32, #tpu.memory_space<vmem>>, vector<512x832xf32>
    %get3A_2 = arith.constant 0 : index
    %get3A_3 = arith.constant 0 : index
    %get3A_4 = vector.load %arg1[%get3A_2, %get3A_3] : memref<832x2048xf32, #tpu.memory_space<vmem>>, vector<832x2048xf32>
    %dot_general3A = arith.constant dense<0.000000e+00> : vector<512x2048xf32>
    %dot_general3A_5 = tpu.matmul %get3A_1, %get3A_4, %dot_general3A {dimension_numbers = #tpu.dot_dimension_numbers<[1], [0], [0], [1], [0, 0, 1, 1], [], []>, transpose_lhs_hint = false} : vector<512x832xf32>, vector<832x2048xf32>, vector<512x2048xf32> -> vector<512x2048xf32>
    %get3A_6 = arith.constant 0 : index
    %get3A_7 = arith.constant 0 : index
    %get3A_8 = vector.load %arg4[%get3A_6, %get3A_7] : memref<512x13xf32, #tpu.memory_space<vmem>>, vector<512x13xf32>
    %get3A_9 = arith.constant 0 : index
    %get3A_10 = arith.constant 0 : index
    %get3A_11 = vector.load %arg2[%get3A_9, %get3A_10] : memref<13x2048xf32, #tpu.memory_space<vmem>>, vector<13x2048xf32>
    %dot_general3A_12 = arith.constant dense<0.000000e+00> : vector<512x2048xf32>
    %dot_general3A_13 = tpu.matmul %get3A_8, %get3A_11, %dot_general3A_12 {dimension_numbers = #tpu.dot_dimension_numbers<[1], [0], [0], [1], [0, 0, 1, 1], [], []>, transpose_lhs_hint = false} : vector<512x13xf32>, vector<13x2048xf32>, vector<512x2048xf32> -> vector<512x2048xf32>
    %add3A = arith.addf %dot_general3A_5, %dot_general3A_13 : vector<512x2048xf32>
    %get3A_14 = arith.constant 0 : index
    %get3A_15 = arith.constant 0 : index
    %get3A_16 = vector.load %arg5[%get3A_14, %get3A_15] : memref<512x1xf32, #tpu.memory_space<vmem>>, vector<512x1xf32>
    %add3A_17 = vector.broadcast %get3A_16 : vector<512x1xf32> to vector<512x2048xf32>
    %add3A_18 = arith.addf %add3A, %add3A_17 : vector<512x2048xf32>
    %max3A = arith.constant 0.000000e+00 : f32
    %max3A_19 = vector.broadcast %max3A : f32 to vector<512x2048xf32>
    %max3A_20 = arith.maximumf %add3A_18, %max3A_19 : vector<512x2048xf32>
    %get3A_21 = arith.constant 0 : index
    %get3A_22 = arith.constant 0 : index
    %get3A_23 = vector.load %arg6[%get3A_21, %get3A_22] : memref<256x512xf32, #tpu.memory_space<vmem>>, vector<256x512xf32>
    %dot_general3A_24 = arith.constant dense<0.000000e+00> : vector<256x2048xf32>
    %dot_general3A_25 = tpu.matmul %get3A_23, %max3A_20, %dot_general3A_24 {dimension_numbers = #tpu.dot_dimension_numbers<[1], [0], [0], [1], [0, 0, 1, 1], [], []>, transpose_lhs_hint = false} : vector<256x512xf32>, vector<512x2048xf32>, vector<256x2048xf32> -> vector<256x2048xf32>
    %get3A_26 = arith.constant 0 : index
    %get3A_27 = arith.constant 0 : index
    %get3A_28 = vector.load %arg7[%get3A_26, %get3A_27] : memref<256x1xf32, #tpu.memory_space<vmem>>, vector<256x1xf32>
    %add3A_29 = vector.broadcast %get3A_28 : vector<256x1xf32> to vector<256x2048xf32>
    %add3A_30 = arith.addf %dot_general3A_25, %add3A_29 : vector<256x2048xf32>
    %max3A_31 = arith.constant 0.000000e+00 : f32
    %max3A_32 = vector.broadcast %max3A_31 : f32 to vector<256x2048xf32>
    %max3A_33 = arith.maximumf %add3A_30, %max3A_32 : vector<256x2048xf32>
    %get3A_34 = arith.constant 0 : index
    %get3A_35 = arith.constant 0 : index
    %get3A_36 = vector.load %arg8[%get3A_34, %get3A_35] : memref<128x256xf32, #tpu.memory_space<vmem>>, vector<128x256xf32>
    %dot_general3A_37 = arith.constant dense<0.000000e+00> : vector<128x2048xf32>
    %dot_general3A_38 = tpu.matmul %get3A_36, %max3A_33, %dot_general3A_37 {dimension_numbers = #tpu.dot_dimension_numbers<[1], [0], [0], [1], [0, 0, 1, 1], [], []>, transpose_lhs_hint = false} : vector<128x256xf32>, vector<256x2048xf32>, vector<128x2048xf32> -> vector<128x2048xf32>
    %get3A_39 = arith.constant 0 : index
    %get3A_40 = arith.constant 0 : index
    %get3A_41 = vector.load %arg9[%get3A_39, %get3A_40] : memref<128x1xf32, #tpu.memory_space<vmem>>, vector<128x1xf32>
    %add3A_42 = vector.broadcast %get3A_41 : vector<128x1xf32> to vector<128x2048xf32>
    %add3A_43 = arith.addf %dot_general3A_38, %add3A_42 : vector<128x2048xf32>
    %max3A_44 = arith.constant 0.000000e+00 : f32
    %max3A_45 = vector.broadcast %max3A_44 : f32 to vector<128x2048xf32>
    %max3A_46 = arith.maximumf %add3A_43, %max3A_45 : vector<128x2048xf32>
    %get3A_47 = arith.constant 0 : index
    %get3A_48 = arith.constant 0 : index
    %get3A_49 = vector.load %arg10[%get3A_47, %get3A_48] : memref<1x128xf32, #tpu.memory_space<vmem>>, vector<1x128xf32>
    %dot_general3A_50 = arith.constant dense<0.000000e+00> : vector<1x2048xf32>
    %dot_general3A_51 = tpu.matmul %get3A_49, %max3A_46, %dot_general3A_50 {dimension_numbers = #tpu.dot_dimension_numbers<[1], [0], [0], [1], [0, 0, 1, 1], [], []>, transpose_lhs_hint = false} : vector<1x128xf32>, vector<128x2048xf32>, vector<1x2048xf32> -> vector<1x2048xf32>
    %get3A_52 = arith.constant 0 : index
    %get3A_53 = arith.constant 0 : index
    %get3A_54 = vector.load %arg11[%get3A_52, %get3A_53] : memref<1x1xf32, #tpu.memory_space<vmem>>, vector<1x1xf32>
    %add3A_55 = vector.broadcast %get3A_54 : vector<1x1xf32> to vector<1x2048xf32>
    %add3A_56 = arith.addf %dot_general3A_51, %add3A_55 : vector<1x2048xf32>
    %swap3A = arith.constant 0 : index
    %swap3A_57 = arith.constant 0 : index
    %swap3A_58 = vector.load %arg12[%swap3A, %swap3A_57] : memref<1x2048xf32, #tpu.memory_space<vmem>>, vector<1x2048xf32>
    tpu.vector_store %arg12[%swap3A, %swap3A_57], %add3A_56 {strides = array<i32>} : memref<1x2048xf32, #tpu.memory_space<vmem>>, vector<1x2048xf32>,
    return
  }
  func.func @transform_0(%arg0: i32) -> (i32, i32) {
    %c0_i32 = arith.constant 0 : i32
    %c0_i32_0 = arith.constant 0 : i32
    return %c0_i32, %arg0 : i32, i32
  }
  func.func @transform_1(%arg0: i32) -> (i32, i32) {
    %c0_i32 = arith.constant 0 : i32
    %c0_i32_0 = arith.constant 0 : i32
    return %c0_i32, %arg0 : i32, i32
  }
  func.func @transform_2(%arg0: i32) -> (i32, i32) {
    %c0_i32 = arith.constant 0 : i32
    %c0_i32_0 = arith.constant 0 : i32
    %c0_i32_1 = arith.constant 0 : i32
    return %c0_i32, %c0_i32_0 : i32, i32
  }
  func.func @transform_3(%arg0: i32) -> (i32, i32) {
    %c0_i32 = arith.constant 0 : i32
    %c0_i32_0 = arith.constant 0 : i32
    %c0_i32_1 = arith.constant 0 : i32
    return %c0_i32, %c0_i32_0 : i32, i32
  }
  func.func @transform_4(%arg0: i32) -> (i32, i32) {
    %c0_i32 = arith.constant 0 : i32
    %c0_i32_0 = arith.constant 0 : i32
    %c0_i32_1 = arith.constant 0 : i32
    return %c0_i32, %c0_i32_0 : i32, i32
  }
  func.func @transform_5(%arg0: i32) -> (i32, i32) {
    %c0_i32 = arith.constant 0 : i32
    %c0_i32_0 = arith.constant 0 : i32
    %c0_i32_1 = arith.constant 0 : i32
    return %c0_i32, %c0_i32_0 : i32, i32
  }
  func.func @transform_6(%arg0: i32) -> (i32, i32) {
    %c0_i32 = arith.constant 0 : i32
    %c0_i32_0 = arith.constant 0 : i32
    %c0_i32_1 = arith.constant 0 : i32
    return %c0_i32, %c0_i32_0 : i32, i32
  }
  func.func @transform_7(%arg0: i32) -> (i32, i32) {
    %c0_i32 = arith.constant 0 : i32
    %c0_i32_0 = arith.constant 0 : i32
    %c0_i32_1 = arith.constant 0 : i32
    return %c0_i32, %c0_i32_0 : i32, i32
  }
  func.func @transform_8(%arg0: i32) -> (i32, i32) {
    %c0_i32 = arith.constant 0 : i32
    %c0_i32_0 = arith.constant 0 : i32
    %c0_i32_1 = arith.constant 0 : i32
    return %c0_i32, %c0_i32_0 : i32, i32
  }
  func.func @transform_9(%arg0: i32) -> (i32, i32) {
    %c0_i32 = arith.constant 0 : i32
    %c0_i32_0 = arith.constant 0 : i32
    %c0_i32_1 = arith.constant 0 : i32
    return %c0_i32, %c0_i32_0 : i32, i32
  }
  func.func @transform_10(%arg0: i32) -> (i32, i32) {
    %c0_i32 = arith.constant 0 : i32
    %c0_i32_0 = arith.constant 0 : i32
    %c0_i32_1 = arith.constant 0 : i32
    return %c0_i32, %c0_i32_0 : i32, i32
  }
  func.func @transform_11(%arg0: i32) -> (i32, i32) {
    %c0_i32 = arith.constant 0 : i32
    %c0_i32_0 = arith.constant 0 : i32
    return %c0_i32, %arg0 : i32, i32
  }
}

</mosaic_0001>

<sc_bundles>
// kernel: kernel.4.cloned.1.call-start
scs
__scs_entry_jumppad:
0x0: {  	(pc) =	sbr.rel $0x88, $3  }
0x1: {  	(tag) =	ssettag $0x0;
	lr =	simm.s32 $0x1  }
0x2: {  	[smem:$0x3F96] =	sst lr;
	_ =	strace $0xD0000000  }
0x3: {  	_ = 	snop  }
0x4: {  	_ = 	snop  }
0x5: {  	_ = 	snop  }
0x6: {  	_ = 	snop  }
0x7: {  	_ = 	snop  }
__scs_overlays_trampoline_lowered:
0x8: {  	[smem:$0x3FA5] =	sst s0  }
0x9: {  	[smem:$0x3FA6] =	sst s1  }
0xa: {  	[smem:$0x3FA7] =	sst s2  }
0xb: {  	[smem:$0x3FA8] =	sst s3  }
0xc: {  	[smem:$0x3FA9] =	sst s4  }
0xd: {  	[smem:$0x3FAA] =	sst s5  }
0xe: {  	[smem:$0x3FAB] =	sst s6  }
0xf: {  	[smem:$0x3FAC] =	sst s7  }
0x10: {  	[smem:$0x3FAD] =	sst s8  }
0x11: {  	[smem:$0x3FAE] =	sst s9;
	s0 =	simm.s32 @!p0 $0x0  }
0x12: {  	s1 =	sld [smem:$0x3F94];
	s0 =	simm.s32 @p0 $0x1  }
0x13: {  	[smem:$0x3FAF] =	sst s0;
	s0 =	simm.s32 @!p1 $0x0  }
0x14: {  	s2 =	sld [smem:$0x3F93];
	s0 =	simm.s32 @p1 $0x1  }
0x15: {  	[smem:$0x3FB0] =	sst s0;
	s0 =	simm.s32 @!p2 $0x0  }
0x16: {  	s3 =	sld [smem:$0x3FDB];
	s0 =	simm.s32 @p2 $0x1  }
0x17: {  	s4 =	simm.s32 $0x1BF5;
	[smem:$0x3FB2] =	sst s0  }
0x18: {  	s0 =	sld [smem:$0x3F95];
	_ =	swait.ge [sflag:s4], $0x0  }
0x19: {  	s7 =	sld [smem:$0x3F96]  }
0x1a: {  	s8 =	sadd.s32 $0xFFFFE003, lr  }
0x1b: {  	s9 =	sadd.s32 $0xFFFFFEF7, lr;
	s5 =	simm.s32 $0xFFFFFFFF;
	p2 =	slt.u32 s8, $0xFFFFF086  }
0x1c: {  	p1 =	slt.u32 s9, $0xF7A;
	s5 =	simm.s32 @!p2 $0x0  }
0x1d: {  	s5 =	simm.s32 @p1 $0x1;
	p0 =	seq.s32 s7, s2  }
0x1e: {  	s7 =	smul.u32 @!p0 $0xF7A, s2;
	p2 =	seq.s32 @!p0 s5, $0x0  }
0x1f: {  	s9 =	smul.u32 $0xF7A, s1;
	s8 =	simm.s32 @!p0 $0x1BF5;
	p2 =	por !p2, p0  }
0x20: {  	[sflag:s8] =	ssyncset.s32 @!p0 $0xFFFFF086;
	s6 =	sadd.s32 @!p0 s3, s7;
	s7 =	simm.s32 @!p0 $0x108  }
0x21: {  	s3 =	sadd.s32 s3, s9;
	s6 =	sadd.s32 @!p0 $0x88, s6;
	s7 =	simm.s32 @p2 $0x1082  }
0x22: {  	[simem:s7], [sflag:s8] =	dma.local @!p0 [hbm:s6], $0xF7A  }
0x23: {  	s9 =	sor.u32 $0xD0000000, s2;
	s6 =	simm.s32 $0x108;
	_ =	swait.ge @!p0 [sflag:s8], $0x0  }
0x24: {  	s3 =	sadd.s32 $0x88, s3;
	s6 =	simm.s32 @!p1 $0x1082;
	[sflag:s4] =	ssyncset.s32 $0xFFFFF086  }
0x25: {  	[simem:s6], [sflag:s4] =	dma.local [hbm:s3], $0xF7A  }
0x26: {  	[smem:$0x3F96] =	sst s1;
	(tag) =	ssettag s2;
	_ =	strace s9  }
0x27: {  	s1 =	sld [smem:$0x3FA6]  }
0x28: {  	s2 =	sld [smem:$0x3FA7]  }
0x29: {  	s4 =	sld [smem:$0x3FA9]  }
0x2a: {  	p0 =	seq.s32 s5, $0x0;
	s5 =	sld [smem:$0x3FAA]  }
0x2b: {  	s6 =	sld [smem:$0x3FAB]  }
0x2c: {  	s7 =	sld [smem:$0x3FAC]  }
0x2d: {  	s3 =	simm.s32 $0x108;
	s8 =	sld [smem:$0x3FAD]  }
0x2e: {  	s3 =	simm.s32 @!p0 $0x1082;
	s9 =	sld [smem:$0x3FAE]  }
0x2f: {  	lr =	sadd.s32 s0, s3;
	s0 =	sld [smem:$0x3FA5]  }
0x30: {  	s3 =	sld [smem:$0x3FA8]  }
0x31: {  	[smem:$0x3FB1] =	sst s10  }
0x32: {  	s10 =	sld [smem:$0x3FAF];
	_ =	sdelay $0x3  }
0x33: {  	p0 =	seq.s32 s10, $0x1;
	s10 =	sld [smem:$0x3FB1];
	_ =	sdelay $0x3  }
0x34: {  	[smem:$0x3FB1] =	sst s10  }
0x35: {  	s10 =	sld [smem:$0x3FB0];
	_ =	sdelay $0x3  }
0x36: {  	p1 =	seq.s32 s10, $0x1;
	s10 =	sld [smem:$0x3FB1];
	_ =	sdelay $0x3  }
0x37: {  	[smem:$0x3FB1] =	sst s10  }
0x38: {  	s10 =	sld [smem:$0x3FB2]  }
0x39: {  	_ = 	snop;
	(pc) =	sbr.ind lr, $3  }
0x3a: {  	_ = 	snop  }
0x3b: {  	_ = 	snop  }
0x3c: {  	p2 =	seq.s32 s10, $0x1;
	s10 =	sld [smem:$0x3FB1]  }
0x3d: {  	_ =	shalt  }
0x3e: {  	_ =	shalt  }
0x3f: {  	_ =	shalt  }
0x40: {  	_ =	shalt  }
0x41: {  	_ =	shalt  }
0x42: {  	_ =	shalt  }
0x43: {  	_ =	shalt  }
0x44: {  	_ =	shalt  }
0x45: {  	_ =	shalt  }
0x46: {  	_ =	shalt  }
0x47: {  	_ =	shalt  }
0x48: {  	_ =	shalt  }
0x49: {  	_ =	shalt  }
0x4a: {  	_ =	shalt  }
0x4b: {  	_ =	shalt  }
0x4c: {  	_ =	shalt  }
0x4d: {  	_ =	shalt  }
0x4e: {  	_ =	shalt  }
0x4f: {  	_ =	shalt  }
0x50: {  	_ =	shalt  }
0x51: {  	_ =	shalt  }
0x52: {  	_ =	shalt  }
0x53: {  	_ =	shalt  }
0x54: {  	_ =	shalt  }
0x55: {  	_ =	shalt  }
0x56: {  	_ =	shalt  }
0x57: {  	_ =	shalt  }
0x58: {  	_ =	shalt  }
0x59: {  	_ =	shalt  }
0x5a: {  	_ =	shalt  }
0x5b: {  	_ =	shalt  }
0x5c: {  	_ =	shalt  }
0x5d: {  	_ =	shalt  }
0x5e: {  	_ =	shalt  }
0x5f: {  	_ =	shalt  }
0x60: {  	_ =	shalt  }
0x61: {  	_ =	shalt  }
0x62: {  	_ =	shalt  }
0x63: {  	_ =	shalt  }
0x64: {  	_ =	shalt  }
0x65: {  	_ =	shalt  }
0x66: {  	_ =	shalt  }
0x67: {  	_ =	shalt  }
0x68: {  	_ =	shalt  }
0x69: {  	_ =	shalt  }
0x6a: {  	_ =	shalt  }
0x6b: {  	_ =	shalt  }
0x6c: {  	_ =	shalt  }
0x6d: {  	_ =	shalt  }
0x6e: {  	_ =	shalt  }
0x6f: {  	_ =	shalt  }
0x70: {  	_ =	shalt  }
0x71: {  	_ =	shalt  }
0x72: {  	_ =	shalt  }
0x73: {  	_ =	shalt  }
0x74: {  	_ =	shalt  }
0x75: {  	_ =	shalt  }
0x76: {  	_ =	shalt  }
0x77: {  	_ =	shalt  }
0x78: {  	_ =	shalt  }
0x79: {  	_ =	shalt  }
0x7a: {  	_ =	shalt  }
0x7b: {  	_ =	shalt  }
0x7c: {  	_ =	shalt  }
0x7d: {  	_ =	shalt  }
0x7e: {  	_ =	shalt  }
0x7f: {  	_ =	shalt  }
0x80: {  	_ =	shalt  }
0x81: {  	_ =	shalt  }
0x82: {  	_ =	shalt  }
0x83: {  	_ =	shalt  }
0x84: {  	_ =	shalt  }
0x85: {  	_ =	shalt  }
0x86: {  	_ =	shalt  }
0x87: {  	_ =	shalt  }
.Lfunc_end0:
.L_simem_size_0:
called_computation_lowered:
.L_overlay_start_0:
0x88: {  	s2 =	sld [smem:$0x3FD9]  }
0x89: {  	s3 =	sld [smem:$0x3FFE];
	_ =	sdelay $0x1  }
0x8a: {  	s1 =	srdreg.scid  }
0x8b: {  	s0 =	sand.u32 $0x1, s1  }
0x8c: {  	s17 =	sshll.u32 s0, $0xA;
	s2 =	sadd.s32 s3, s2  }
0x8d: {  	s2 =	sadd.s32 s2, s17  }
0x8e: {  	[smem:$0x3FBD] =	sst s2  }
0x8f: {  	_ = 	snop  }
0x90: {  	s2 =	sld [smem:$0x3FC7];
	(tm) =	ssettm $0x1  }
0x91: {  	s18 =	sld [smem:$0x3FFB];
	_ =	sdelay $0x3  }
0x92: {  	_ =	strace s18  }
0x93: {  	s3 =	sld [smem:$0x3FFC];
	_ =	sdelay $0x3  }
0x94: {  	_ =	strace s3  }
0x95: {  	s3 =	sld [smem:$0x3FFD];
	_ =	sdelay $0x3  }
0x96: {  	_ =	strace s3  }
0x97: {  	_ =	strace $0x8FFFFFFF  }
0x98: {  	s19 =	sld [smem:$0x3FDB];
	_ =	sdelay $0x1  }
0x99: {  	s4 =	simm.s32 $_scs_section_size  }
0x9a: {  	s5 =	simm.s32 $_size__tile_overlayer_lowered;
	s6 =	simm.s32 $_tile_overlayer_lowered  }
0x9b: {  	s22 =	simm.s32 $0x1BFF;
	s21 =	sshll.u32 s6, $0x1;
	s3 =	sadd.s32 s4, s19  }
0x9c: {  	s7 =	simm.s32 $0x0;
	s20 =	sshll.u32 s5, $0x1;
	s5 =	sadd.s32 s21, s3  }
0x9d: {  	[timem:s7], [sflag:s22] =	dma.local [hbm:s5], s20  }
0x9e: {  	_ =	swait.ge [sflag:s22], s20  }
0x9f: {  	s4 =	ssub.s32 $0x0, s20;
	[sflag:s22] =	ssyncset.done $0x0  }
0xa0: {  	[sflag:s22] =	ssyncadd.s32 s4;
	_ =	sdelay $0x1  }
0xa1: {  	s23 =	simm.s32 $0x1B8B  }
0xa2: {  	_ =	swait.ge [sflag:s23], $0x1  }
0xa3: {  	[sflag:s23] =	ssyncset.done $0x0  }
0xa4: {  	s25 =	simm.s32 $0x1B8E;
	s24 =	sld [smem:$0x3FFE];
	[sflag:s23] =	ssyncadd.s32 $0xFFFFFFFF  }
0xa5: {  	s26 =	simm.s32 $execute0_lowered;
	[smem:$0x3FD2] =	sst s25  }
0xa6: {  	s5 =	sshll.u32 s26, $0x1;
	_ =	strace $0x80000046;
	[dreg:$0x1] =	wrdreg $0xFFFFFFFF  }
0xa7: {  	s28 =	simm.s32 $_size_execute0_lowered;
	s3 =	sadd.s32 s3, s5;
	[dreg:$0x0] =	wrdreg $0x0  }
0xa8: {  	s5 =	sshll.u32 s28, $0x1;
	[dreg:$0x2] =	wrdreg s3  }
0xa9: {  	[dreg:$0x3] =	wrdreg s5  }
0xaa: {  	[dreg:$0x4] =	wrdreg $0xC0  }
0xab: {  	_ =	task [dreg:s7], $0x5FFFF  }
0xac: {  	[dreg:$0x1] =	wrdreg $0xFFFFFFFF  }
0xad: {  	[dreg:$0x0] =	wrdreg $0x60  }
0xae: {  	[dreg:$0x2] =	wrdreg s2  }
0xaf: {  	[dreg:$0x3] =	wrdreg s24  }
0xb0: {  	[dreg:$0x4] =	wrdreg $0x9  }
0xb1: {  	_ =	task.clear_ibuf [dreg:s7], $0x5FFFF;
	_ =	strace $0x90000046  }
0xb2: {  	s29 =	simm.s32 $0x9;
	_ =	strace $0x80000048  }
0xb3: {  	_ =	swait.ge [sflag:s29], $0x1  }
0xb4: {  	[sflag:s29] =	ssyncadd.s32 $0xFFFFFFFF  }
0xb5: {  	_ =	strace $0x90000048  }
0xb6: {  	_ =	sfence  }
0xb7: {  	s30 =	sld [smem:$0x0];
	_ =	sdelay $0x2  }
0xb8: {  	s31 =	sshll.u32 s1, $0xD;
	s1 =	sshrl.u32 s1, $0x2  }
0xb9: {  	s3 =	sand.u32 $0x4000, s31;
	s1 =	sadd.s32 s1, s30  }
0xba: {  	s0 =	sor.u32 s3, s0;
	s1 =	sshll.u32 s1, $0x11  }
0xbb: {  	s0 =	sor.u32 s1, s0  }
0xbc: {  	s0 =	sadd.s32 $0x8F2B, s0  }
0xbd: {  	[sflag:s0] =	ssyncadd.remote.s32 $0x1  }
0xbe: {  	_ =	sfence.sel $0xFFFF  }
0xbf: {  	[dreg:$0x0] =	wrdreg $0xFFFFFFFF;
	(pc) =	sbr.abs _section_cstart, $3  }
0xc0: {  	[dreg:$0x1] =	wrdreg $0xFFFFFFFF  }
0xc1: {  	_ =	task.clear_ibuf [dreg:s7], $0x2FFFF;
	_ =	strace $0x9FFFFFFF  }
0xc2: {  	(tm) =	ssettm $0x7FFFFFFF  }
0xc3: {  	_ =	shalt  }
tec
execute0_lowered:
.L_overlay_start_1:
0x0: {  	(tag) =	ssettag $0x1  }
0x1: {  	s3 =	stileid.u32;
	s2 =	rddreg [dreg:$0x0]  }
0x2: {  	s0 =	srdreg.scid;
	s15 =	rddreg [dreg:$0x1];
	s17 =	simm.s32 $0x80  }
0x3: {  	s18 =	simm.s32 $0x400;
	s19 =	simm.s32 $0x18700;
	s20 =	simm.s32 $0x4  }
0x4: {  	s21 =	simm.s32 $0x1;
	s22 =	simm.s32 $0x1C700;
	s23 =	simm.s32 $0x1D700  }
0x5: {  	s24 =	simm.s32 $0x2;
	s25 =	simm.s32 $0x3;
	s1 =	sshll.u32 s3, $0x1  }
0x6: {  	s0 =	sand.u32 $0x1, s0;
	s4 =	sshrl.u32 s3, $0x3;
	s1 =	sand.u32 $0xE, s1  }
0x7: {  	s3 =	simm.s32 $0x0;
	s6 =	sadd.s32 $0x1A00, s15;
	s8 =	sor.u32 s0, s1  }
0x8: {  	s7 =	sadd.s32 $0x11A00, s15;
	s12 =	sadd.s32 $0x12A00, s15;
	s5 =	smul.u32 $0xD, s8  }
0x9: {  	s13 =	sadd.s32 $0x13A00, s15;
	s15 =	sadd.s32 $0x14A00, s15;
	s4 =	smul.u32 $0xD, s4  }
0xa: {  	[smem:$0x7FF] =	sst s3;
	s0 =	ssub.s32 $0x2, s0;
	s5 =	sshrl.u32 s5, $0x4  }
0xb: {  	_ =	strace $0x80000047;
	s11 =	sshrl.u32 s0, $0x1;
	s9 =	sadd.s32 s4, s5  }
0xc: {  	s1 =	sshrl.u32 s1, $0x2;
	s0 =	ssub.s32 s0, s11;
	s10 =	sshll.u32 s9, $0x4  }
.Ltmp0:
0xd: {  	s9 =	sshll.u32 s9, $0xB;
	s10 =	sand.u32 $0x70, s10;
	(pc) =	sbr.rel .LBB2_1-.Ltmp0, $4  }
0xe: {  	s0 =	smax.u32 s0, $0x1;
	s9 =	sand.u32 $0xC000, s9;
	s10 =	sadd.s32 s6, s10  }
0xf: {  	s31 =	sshll.u32 s8, $0x8;
	[dreg:$0x4] =	wrdreg s0;
	s9 =	sadd.s32 s9, s10  }
0x10: {  	s11 =	sshll.u32 s8, $0xF;
	s10 =	sand.u32 $0x300, s31;
	[dreg:$0x3] =	wrdreg s9  }
0x11: {  	s9 =	smul.u32 $0xC3800, s1;
	s14 =	sor.u32 $0x80, s10;
	s1 =	simm.s32 $0x0  }
.LBB2_20:
0x12: {  	_ =	swait.ge [sflag:s24], $0x1000  }
0x13: {  	[sflag:s24] =	ssyncset.done $0x0  }
0x14: {  	[sflag:s24] =	ssyncadd.s32 $0xFFFFF000  }
0x15: {  	_ =	swait.ge [sflag:s25], $0x1000  }
0x16: {  	s1 =	rddreg [dreg:$0x5]  }
0x17: {  	s0 =	rddreg [dreg:$0x4];
	s1 =	sadd.s32 $0x1, s1  }
0x18: {  	p0 =	sne.s32 s1, s0  }
.Ltmp1:
0x19: {  	_ = 	snop;
	(pc) =	sbr.rel @!p0 .LBB2_21-.Ltmp1, $3  }
0x1a: {  	_ =	sdelay $0x1  }
0x1b: {  	[sflag:s25] =	ssyncset.done $0x0  }
0x1c: {  	[sflag:s25] =	ssyncadd.s32 $0xFFFFF000  }
.LBB2_1:
0x1d: {  	[dreg:$0x5] =	wrdreg s1  }
0x1e: {  	s0 =	rddreg [dreg:$0x3];
	s28 =	simm.s32 $0x0  }
0x1f: {  	[tilespmem:s19], [sflag:$0x1] =	stream.strided.gather [hbm4b:s0+s17], $0x4000, s18, s17, $0x38;
	[tilespmem:$0x1E700] =	vst v63  }
.LBB2_2:
0x20: {  	s29 =	sadd.s32 s5, s28  }
0x21: {  	s0 =	smulhi.u32 $0x4EC4EC4F, s29;
	_ =	sdelay $0x1  }
0x22: {  	s0 =	sshrl.u32 s0, $0x2  }
0x23: {  	s0 =	smul.u32 $0xD, s0;
	_ =	sdelay $0x1  }
0x24: {  	s0 =	ssub.s32 s29, s0  }
0x25: {  	s0 =	sadd.s32 s4, s0  }
0x26: {  	s1 =	smul.u32 $0x30E000, s0;
	_ =	sdelay $0x1  }
0x27: {  	s30 =	sadd.s32 s9, s1  }
0x28: {  	s1 =	sor.u32 s10, s30  }
0x29: {  	s1 =	sshrl.u32 s1, $0x3  }
0x2a: {  	s1 =	sadd.s32 s2, s1  }
0x2b: {  	[tilespmem:s3], [sflag:$0x4] =	stream.strided.gather [hbm4b:s1+s17], $0x18700, s18, s17, $0x38;
	[tilespmem:$0x1E700] =	vst v63  }
0x2c: {  	_ =	swait.ge [sflag:s20], $0x18700  }
0x2d: {  	[sflag:s20] =	ssyncset.done $0x0  }
0x2e: {  	[sflag:s20] =	ssyncadd.s32 $0xFFFE7900  }
0x2f: {  	_ =	swait.ge [sflag:s21], $0x4000  }
0x30: {  	p0 =	seq.s32 s28, $0x0;
	[sflag:s21] =	ssyncset.done $0x0  }
0x31: {  	s1 =	simm.s32 @!p0 $0x2;
	[sflag:s21] =	ssyncadd.s32 $0xFFFFC000  }
0x32: {  	_ =	swait.ge @!p0 [sflag:s1], $0x1000  }
0x33: {  	[sflag:s1] =	ssyncset.done @!p0 $0x0  }
0x34: {  	s31 =	simm.s32 $0x18780;
	[sflag:s1] =	ssyncadd.s32 @!p0 $0xFFFFF000  }
0x35: {  	v0 =	vld [tilespmem:s31+$0x70]  }
0x36: {  	v1 =	vld [tilespmem:s31+$0xFFFFFF90]  }
0x37: {  	v2 =	vld [tilespmem:s31+$0xFFFFFFA0]  }
0x38: {  	v3 =	vld [tilespmem:s31+$0xFFFFFFB0]  }
0x39: {  	v4 =	vld [tilespmem:s31+$0xFFFFFFC0]  }
0x3a: {  	v5 =	vld [tilespmem:s31+$0xFFFFFFD0]  }
0x3b: {  	v6 =	vld [tilespmem:s31+$0xFFFFFFE0]  }
0x3c: {  	v7 =	vld [tilespmem:s31+$0xFFFFFFF0]  }
0x3d: {  	v8 =	vld [tilespmem:s31+$0x0]  }
0x3e: {  	v9 =	vld [tilespmem:s31+$0x10]  }
0x3f: {  	v10 =	vld [tilespmem:s31+$0x20]  }
0x40: {  	v11 =	vld [tilespmem:s31+$0x30]  }
0x41: {  	v12 =	vld [tilespmem:s31+$0x40]  }
0x42: {  	v13 =	vld [tilespmem:s31+$0x50]  }
0x43: {  	v14 =	vld [tilespmem:s31+$0x60]  }
0x44: {  	v15 =	vld [tilespmem:s31+$0xFFFFFF80]  }
0x45: {  	v0 =	vld.idx.msk [tilespmem:v0+s3+$0x0], $0xffff  }
0x46: {  	v1 =	vld.idx.msk [tilespmem:v1+s3+$0x0], $0xffff  }
0x47: {  	v2 =	vld.idx.msk [tilespmem:v2+s3+$0x0], $0xffff  }
0x48: {  	v3 =	vld.idx.msk [tilespmem:v3+s3+$0x0], $0xffff  }
0x49: {  	v4 =	vld.idx.msk [tilespmem:v4+s3+$0x0], $0xffff  }
0x4a: {  	s8 =	simm.s32 $0x1C780;
	v5 =	vld.idx.msk [tilespmem:v5+s3+$0x0], $0xffff  }
0x4b: {  	v6 =	vld.idx.msk [tilespmem:v6+s3+$0x0], $0xffff;
	[tilespmem:s8+$0x70] =	vst v0  }
0x4c: {  	v7 =	vld.idx.msk [tilespmem:v7+s3+$0x0], $0xffff;
	[tilespmem:s8+$0xFFFFFF90] =	vst v1  }
0x4d: {  	v15 =	vld.idx.msk [tilespmem:v15+s3+$0x0], $0xffff;
	[tilespmem:s8+$0xFFFFFFA0] =	vst v2  }
0x4e: {  	v8 =	vld.idx.msk [tilespmem:v8+s3+$0x0], $0xffff;
	[tilespmem:s8+$0xFFFFFFB0] =	vst v3  }
0x4f: {  	[tilespmem:s8+$0xFFFFFFC0] =	vst v4;
	v4 =	vld.idx.msk [tilespmem:v9+s3+$0x0], $0xffff  }
0x50: {  	[tilespmem:s8+$0xFFFFFFD0] =	vst v5;
	v0 =	vld.idx.msk [tilespmem:v10+s3+$0x0], $0xffff  }
0x51: {  	[tilespmem:s8+$0xFFFFFFE0] =	vst v6;
	v1 =	vld.idx.msk [tilespmem:v11+s3+$0x0], $0xffff  }
0x52: {  	[tilespmem:s8+$0xFFFFFFF0] =	vst v7;
	v2 =	vld.idx.msk [tilespmem:v12+s3+$0x0], $0xffff  }
0x53: {  	[tilespmem:s8+$0xFFFFFF80] =	vst v15;
	v3 =	vld.idx.msk [tilespmem:v13+s3+$0x0], $0xffff  }
0x54: {  	s16 =	simm.s32 $0x18880;
	s1 =	simm.s32 $0x0;
	[tilespmem:s8+$0x0] =	vst v8;
	v5 =	vld.idx.msk [tilespmem:v14+s3+$0x0], $0xffff  }
.LBB2_3:
0x55: {  	v6 =	vld [tilespmem:s16+$0x70];
	s1 =	sadd.s32 $0x10, s1;
	[tilespmem:s8+$0x10] =	vst v4  }
0x56: {  	v4 =	vld [tilespmem:s16+$0xFFFFFF90];
	p1 =	slt.u32 s1, $0xF0;
	[tilespmem:s8+$0x20] =	vst v0  }
0x57: {  	v0 =	vld [tilespmem:s16+$0xFFFFFFA0];
	[tilespmem:s8+$0x30] =	vst v1  }
0x58: {  	v1 =	vld [tilespmem:s16+$0xFFFFFFB0];
	[tilespmem:s8+$0x40] =	vst v2  }
0x59: {  	v2 =	vld [tilespmem:s16+$0xFFFFFFC0];
	[tilespmem:s8+$0x50] =	vst v3  }
0x5a: {  	v3 =	vld [tilespmem:s16+$0xFFFFFFD0];
	[tilespmem:s8+$0x60] =	vst v5  }
0x5b: {  	v5 =	vld [tilespmem:s16+$0xFFFFFFE0]  }
0x5c: {  	v7 =	vld [tilespmem:s16+$0xFFFFFFF0]  }
0x5d: {  	v6 =	vld.idx.msk [tilespmem:v6+s3+$0x0], $0xffff  }
0x5e: {  	v8 =	vld [tilespmem:s16+$0x0]  }
0x5f: {  	v9 =	vld [tilespmem:s16+$0x10]  }
0x60: {  	v10 =	vld [tilespmem:s16+$0x20]  }
0x61: {  	v11 =	vld [tilespmem:s16+$0x30]  }
0x62: {  	s8 =	sadd.s32 $0x100, s8;
	v12 =	vld [tilespmem:s16+$0x40]  }
0x63: {  	v13 =	vld [tilespmem:s16+$0x50];
	[tilespmem:s8+$0x70] =	vst v6  }
0x64: {  	v6 =	vld [tilespmem:s16+$0x60]  }
0x65: {  	v14 =	vld [tilespmem:s16+$0xFFFFFF80]  }
0x66: {  	v4 =	vld.idx.msk [tilespmem:v4+s3+$0x0], $0xffff  }
0x67: {  	v0 =	vld.idx.msk [tilespmem:v0+s3+$0x0], $0xffff  }
0x68: {  	v1 =	vld.idx.msk [tilespmem:v1+s3+$0x0], $0xffff  }
0x69: {  	v2 =	vld.idx.msk [tilespmem:v2+s3+$0x0], $0xffff  }
0x6a: {  	v3 =	vld.idx.msk [tilespmem:v3+s3+$0x0], $0xffff  }
0x6b: {  	v5 =	vld.idx.msk [tilespmem:v5+s3+$0x0], $0xffff  }
0x6c: {  	[tilespmem:s8+$0xFFFFFF90] =	vst v4;
	v7 =	vld.idx.msk [tilespmem:v7+s3+$0x0], $0xffff  }
0x6d: {  	v14 =	vld.idx.msk [tilespmem:v14+s3+$0x0], $0xffff;
	[tilespmem:s8+$0xFFFFFFA0] =	vst v0  }
0x6e: {  	[tilespmem:s8+$0xFFFFFFB0] =	vst v1;
	v8 =	vld.idx.msk [tilespmem:v8+s3+$0x0], $0xffff  }
0x6f: {  	[tilespmem:s8+$0xFFFFFFC0] =	vst v2;
	v4 =	vld.idx.msk [tilespmem:v9+s3+$0x0], $0xffff  }
.Ltmp2:
0x70: {  	[tilespmem:s8+$0xFFFFFFD0] =	vst v3;
	v0 =	vld.idx.msk [tilespmem:v10+s3+$0x0], $0xffff;
	(pc) =	sbr.rel @p1 .LBB2_3-.Ltmp2, $4  }
0x71: {  	[tilespmem:s8+$0xFFFFFFE0] =	vst v5;
	v1 =	vld.idx.msk [tilespmem:v11+s3+$0x0], $0xffff  }
0x72: {  	[tilespmem:s8+$0xFFFFFFF0] =	vst v7;
	v2 =	vld.idx.msk [tilespmem:v12+s3+$0x0], $0xffff  }
0x73: {  	[tilespmem:s8+$0xFFFFFF80] =	vst v14;
	v3 =	vld.idx.msk [tilespmem:v13+s3+$0x0], $0xffff  }
0x74: {  	s16 =	sadd.s32 $0x100, s16;
	[tilespmem:s8+$0x0] =	vst v8;
	v5 =	vld.idx.msk [tilespmem:v6+s3+$0x0], $0xffff  }
0x75: {  	[tilespmem:s8+$0x10] =	vst v4;
	s0 =	sshll.u32 s0, $0x13  }
0x76: {  	[tilespmem:s8+$0x20] =	vst v0;
	s1 =	sor.u32 s11, s0  }
0x77: {  	[tilespmem:s8+$0x30] =	vst v1;
	s31 =	sand.u32 $0x7FFE0000, s1  }
0x78: {  	[tilespmem:s8+$0x40] =	vst v2;
	s26 =	sor.u32 s10, s31  }
0x79: {  	[tilespmem:s8+$0x50] =	vst v3;
	s0 =	sshrl.u32 s26, $0x3  }
0x7a: {  	[tilespmem:s8+$0x60] =	vst v5;
	s8 =	simm.s32 @!p0 $0x3;
	s16 =	sadd.s32 s7, s0  }
0x7b: {  	[hbm4b:s16+s17] =	stream.strided.scatter [tilespmem:s22], [sflag:$0x2], $0x1000, s18, s17, $0x38;
	[tilespmem:$0x1E700] =	vst v63  }
0x7c: {  	_ =	swait.ge @!p0 [sflag:s8], $0x1000  }
0x7d: {  	[sflag:s8] =	ssyncset.done @!p0 $0x0  }
0x7e: {  	s26 =	simm.s32 $0x197F0;
	[sflag:s8] =	ssyncadd.s32 @!p0 $0xFFFFF000  }
0x7f: {  	v0 =	vld [tilespmem:s26+$0x0]  }
0x80: {  	v1 =	vld [tilespmem:s26+$0xFFFFFF20]  }
0x81: {  	v2 =	vld [tilespmem:s26+$0xFFFFFF30]  }
0x82: {  	v3 =	vld [tilespmem:s26+$0xFFFFFF40]  }
0x83: {  	v4 =	vld [tilespmem:s26+$0xFFFFFF50]  }
0x84: {  	v5 =	vld [tilespmem:s26+$0xFFFFFF60]  }
0x85: {  	v6 =	vld [tilespmem:s26+$0xFFFFFF70]  }
0x86: {  	v7 =	vld [tilespmem:s26+$0xFFFFFF80]  }
0x87: {  	v8 =	vld [tilespmem:s26+$0xFFFFFF90]  }
0x88: {  	v9 =	vld [tilespmem:s26+$0xFFFFFFA0]  }
0x89: {  	v10 =	vld [tilespmem:s26+$0xFFFFFFB0]  }
0x8a: {  	v11 =	vld [tilespmem:s26+$0xFFFFFFC0]  }
0x8b: {  	v12 =	vld [tilespmem:s26+$0xFFFFFFD0]  }
0x8c: {  	v13 =	vld [tilespmem:s26+$0xFFFFFFE0]  }
0x8d: {  	v14 =	vld [tilespmem:s26+$0xFFFFFFF0]  }
0x8e: {  	v15 =	vld [tilespmem:s26+$0xFFFFFF10]  }
0x8f: {  	v0 =	vld.idx.msk [tilespmem:v0+s3+$0x0], $0xffff  }
0x90: {  	v1 =	vld.idx.msk [tilespmem:v1+s3+$0x0], $0xffff  }
0x91: {  	v2 =	vld.idx.msk [tilespmem:v2+s3+$0x0], $0xffff  }
0x92: {  	v3 =	vld.idx.msk [tilespmem:v3+s3+$0x0], $0xffff  }
0x93: {  	v4 =	vld.idx.msk [tilespmem:v4+s3+$0x0], $0xffff  }
0x94: {  	s8 =	simm.s32 $0x1D780;
	v5 =	vld.idx.msk [tilespmem:v5+s3+$0x0], $0xffff  }
0x95: {  	v6 =	vld.idx.msk [tilespmem:v6+s3+$0x0], $0xffff;
	[tilespmem:s8+$0x70] =	vst v0  }
0x96: {  	v7 =	vld.idx.msk [tilespmem:v7+s3+$0x0], $0xffff;
	[tilespmem:s8+$0xFFFFFF90] =	vst v1  }
0x97: {  	v15 =	vld.idx.msk [tilespmem:v15+s3+$0x0], $0xffff;
	[tilespmem:s8+$0xFFFFFFA0] =	vst v2  }
0x98: {  	v8 =	vld.idx.msk [tilespmem:v8+s3+$0x0], $0xffff;
	[tilespmem:s8+$0xFFFFFFB0] =	vst v3  }
0x99: {  	[tilespmem:s8+$0xFFFFFFC0] =	vst v4;
	v0 =	vld.idx.msk [tilespmem:v9+s3+$0x0], $0xffff  }
0x9a: {  	[tilespmem:s8+$0xFFFFFFD0] =	vst v5;
	v1 =	vld.idx.msk [tilespmem:v10+s3+$0x0], $0xffff  }
0x9b: {  	[tilespmem:s8+$0xFFFFFFE0] =	vst v6;
	v2 =	vld.idx.msk [tilespmem:v11+s3+$0x0], $0xffff  }
0x9c: {  	[tilespmem:s8+$0xFFFFFFF0] =	vst v7;
	v3 =	vld.idx.msk [tilespmem:v12+s3+$0x0], $0xffff  }
0x9d: {  	[tilespmem:s8+$0xFFFFFF80] =	vst v15;
	v4 =	vld.idx.msk [tilespmem:v13+s3+$0x0], $0xffff  }
0x9e: {  	s16 =	simm.s32 $0x0;
	s26 =	simm.s32 $0x198F0;
	[tilespmem:s8+$0x0] =	vst v8;
	v5 =	vld.idx.msk [tilespmem:v14+s3+$0x0], $0xffff  }
.LBB2_5:
0x9f: {  	v6 =	vld [tilespmem:s26+$0x0];
	s16 =	sadd.s32 $0x10, s16;
	[tilespmem:s8+$0x10] =	vst v0  }
0xa0: {  	v0 =	vld [tilespmem:s26+$0xFFFFFF20];
	p0 =	slt.u32 s16, $0xF0;
	[tilespmem:s8+$0x20] =	vst v1  }
0xa1: {  	v1 =	vld [tilespmem:s26+$0xFFFFFF30];
	[tilespmem:s8+$0x30] =	vst v2  }
0xa2: {  	v2 =	vld [tilespmem:s26+$0xFFFFFF40];
	[tilespmem:s8+$0x40] =	vst v3  }
0xa3: {  	v3 =	vld [tilespmem:s26+$0xFFFFFF50];
	[tilespmem:s8+$0x50] =	vst v4  }
0xa4: {  	v4 =	vld [tilespmem:s26+$0xFFFFFF60];
	[tilespmem:s8+$0x60] =	vst v5  }
0xa5: {  	v5 =	vld [tilespmem:s26+$0xFFFFFF70]  }
0xa6: {  	v7 =	vld [tilespmem:s26+$0xFFFFFF80]  }
0xa7: {  	v6 =	vld.idx.msk [tilespmem:v6+s3+$0x0], $0xffff  }
0xa8: {  	v8 =	vld [tilespmem:s26+$0xFFFFFF90]  }
0xa9: {  	v9 =	vld [tilespmem:s26+$0xFFFFFFA0]  }
0xaa: {  	v10 =	vld [tilespmem:s26+$0xFFFFFFB0]  }
0xab: {  	v11 =	vld [tilespmem:s26+$0xFFFFFFC0]  }
0xac: {  	s8 =	sadd.s32 $0x100, s8;
	v12 =	vld [tilespmem:s26+$0xFFFFFFD0]  }
0xad: {  	v13 =	vld [tilespmem:s26+$0xFFFFFFE0];
	[tilespmem:s8+$0x70] =	vst v6  }
0xae: {  	v6 =	vld [tilespmem:s26+$0xFFFFFFF0]  }
0xaf: {  	v14 =	vld [tilespmem:s26+$0xFFFFFF10]  }
0xb0: {  	v0 =	vld.idx.msk [tilespmem:v0+s3+$0x0], $0xffff  }
0xb1: {  	v1 =	vld.idx.msk [tilespmem:v1+s3+$0x0], $0xffff  }
0xb2: {  	v2 =	vld.idx.msk [tilespmem:v2+s3+$0x0], $0xffff  }
0xb3: {  	v3 =	vld.idx.msk [tilespmem:v3+s3+$0x0], $0xffff  }
0xb4: {  	v4 =	vld.idx.msk [tilespmem:v4+s3+$0x0], $0xffff  }
0xb5: {  	v5 =	vld.idx.msk [tilespmem:v5+s3+$0x0], $0xffff  }
0xb6: {  	[tilespmem:s8+$0xFFFFFF90] =	vst v0;
	v7 =	vld.idx.msk [tilespmem:v7+s3+$0x0], $0xffff  }
0xb7: {  	v14 =	vld.idx.msk [tilespmem:v14+s3+$0x0], $0xffff;
	[tilespmem:s8+$0xFFFFFFA0] =	vst v1  }
0xb8: {  	[tilespmem:s8+$0xFFFFFFB0] =	vst v2;
	v8 =	vld.idx.msk [tilespmem:v8+s3+$0x0], $0xffff  }
0xb9: {  	[tilespmem:s8+$0xFFFFFFC0] =	vst v3;
	v0 =	vld.idx.msk [tilespmem:v9+s3+$0x0], $0xffff  }
.Ltmp3:
0xba: {  	[tilespmem:s8+$0xFFFFFFD0] =	vst v4;
	v1 =	vld.idx.msk [tilespmem:v10+s3+$0x0], $0xffff;
	(pc) =	sbr.rel @p0 .LBB2_5-.Ltmp3, $4  }
0xbb: {  	[tilespmem:s8+$0xFFFFFFE0] =	vst v5;
	v2 =	vld.idx.msk [tilespmem:v11+s3+$0x0], $0xffff  }
0xbc: {  	[tilespmem:s8+$0xFFFFFFF0] =	vst v7;
	v3 =	vld.idx.msk [tilespmem:v12+s3+$0x0], $0xffff  }
0xbd: {  	[tilespmem:s8+$0xFFFFFF80] =	vst v14;
	v4 =	vld.idx.msk [tilespmem:v13+s3+$0x0], $0xffff  }
0xbe: {  	s26 =	sadd.s32 $0x100, s26;
	[tilespmem:s8+$0x0] =	vst v8;
	v5 =	vld.idx.msk [tilespmem:v6+s3+$0x0], $0xffff  }
0xbf: {  	[tilespmem:s8+$0x10] =	vst v0  }
0xc0: {  	[tilespmem:s8+$0x20] =	vst v1  }
0xc1: {  	[tilespmem:s8+$0x30] =	vst v2  }
0xc2: {  	[tilespmem:s8+$0x40] =	vst v3  }
0xc3: {  	[tilespmem:s8+$0x50] =	vst v4  }
0xc4: {  	s16 =	sadd.s32 s0, s12;
	[tilespmem:s8+$0x60] =	vst v5  }
0xc5: {  	[hbm4b:s16+s17] =	stream.strided.scatter [tilespmem:s23], [sflag:$0x3], $0x1000, s18, s17, $0x38;
	[tilespmem:$0x1E700] =	vst v63  }
0xc6: {  	_ =	swait.ge [sflag:s24], $0x1000  }
0xc7: {  	[sflag:s24] =	ssyncset.done $0x0  }
0xc8: {  	s26 =	simm.s32 $0x1A7F0;
	[sflag:s24] =	ssyncadd.s32 $0xFFFFF000  }
0xc9: {  	v0 =	vld [tilespmem:s26+$0x0]  }
0xca: {  	v1 =	vld [tilespmem:s26+$0xFFFFFF20]  }
0xcb: {  	v2 =	vld [tilespmem:s26+$0xFFFFFF30]  }
0xcc: {  	v3 =	vld [tilespmem:s26+$0xFFFFFF40]  }
0xcd: {  	v4 =	vld [tilespmem:s26+$0xFFFFFF50]  }
0xce: {  	v5 =	vld [tilespmem:s26+$0xFFFFFF60]  }
0xcf: {  	v6 =	vld [tilespmem:s26+$0xFFFFFF70]  }
0xd0: {  	v7 =	vld [tilespmem:s26+$0xFFFFFF80]  }
0xd1: {  	v8 =	vld [tilespmem:s26+$0xFFFFFF90]  }
0xd2: {  	v9 =	vld [tilespmem:s26+$0xFFFFFFA0]  }
0xd3: {  	v10 =	vld [tilespmem:s26+$0xFFFFFFB0]  }
0xd4: {  	v11 =	vld [tilespmem:s26+$0xFFFFFFC0]  }
0xd5: {  	v12 =	vld [tilespmem:s26+$0xFFFFFFD0]  }
0xd6: {  	v13 =	vld [tilespmem:s26+$0xFFFFFFE0]  }
0xd7: {  	v14 =	vld [tilespmem:s26+$0xFFFFFFF0]  }
0xd8: {  	v15 =	vld [tilespmem:s26+$0xFFFFFF10]  }
0xd9: {  	v0 =	vld.idx.msk [tilespmem:v0+s3+$0x0], $0xffff  }
0xda: {  	v1 =	vld.idx.msk [tilespmem:v1+s3+$0x0], $0xffff  }
0xdb: {  	v2 =	vld.idx.msk [tilespmem:v2+s3+$0x0], $0xffff  }
0xdc: {  	v3 =	vld.idx.msk [tilespmem:v3+s3+$0x0], $0xffff  }
0xdd: {  	v4 =	vld.idx.msk [tilespmem:v4+s3+$0x0], $0xffff  }
0xde: {  	s8 =	simm.s32 $0x1C780;
	v5 =	vld.idx.msk [tilespmem:v5+s3+$0x0], $0xffff  }
0xdf: {  	v6 =	vld.idx.msk [tilespmem:v6+s3+$0x0], $0xffff;
	[tilespmem:s8+$0x70] =	vst v0  }
0xe0: {  	v7 =	vld.idx.msk [tilespmem:v7+s3+$0x0], $0xffff;
	[tilespmem:s8+$0xFFFFFF90] =	vst v1  }
0xe1: {  	v15 =	vld.idx.msk [tilespmem:v15+s3+$0x0], $0xffff;
	[tilespmem:s8+$0xFFFFFFA0] =	vst v2  }
0xe2: {  	v8 =	vld.idx.msk [tilespmem:v8+s3+$0x0], $0xffff;
	[tilespmem:s8+$0xFFFFFFB0] =	vst v3  }
0xe3: {  	[tilespmem:s8+$0xFFFFFFC0] =	vst v4;
	v0 =	vld.idx.msk [tilespmem:v9+s3+$0x0], $0xffff  }
0xe4: {  	[tilespmem:s8+$0xFFFFFFD0] =	vst v5;
	v1 =	vld.idx.msk [tilespmem:v10+s3+$0x0], $0xffff  }
0xe5: {  	[tilespmem:s8+$0xFFFFFFE0] =	vst v6;
	v2 =	vld.idx.msk [tilespmem:v11+s3+$0x0], $0xffff  }
0xe6: {  	[tilespmem:s8+$0xFFFFFFF0] =	vst v7;
	v3 =	vld.idx.msk [tilespmem:v12+s3+$0x0], $0xffff  }
0xe7: {  	[tilespmem:s8+$0xFFFFFF80] =	vst v15;
	v4 =	vld.idx.msk [tilespmem:v13+s3+$0x0], $0xffff  }
0xe8: {  	s16 =	simm.s32 $0x0;
	s26 =	simm.s32 $0x1A8F0;
	[tilespmem:s8+$0x0] =	vst v8;
	v5 =	vld.idx.msk [tilespmem:v14+s3+$0x0], $0xffff  }
.LBB2_7:
0xe9: {  	v6 =	vld [tilespmem:s26+$0x0];
	s16 =	sadd.s32 $0x10, s16;
	[tilespmem:s8+$0x10] =	vst v0  }
0xea: {  	v0 =	vld [tilespmem:s26+$0xFFFFFF20];
	p0 =	slt.u32 s16, $0xF0;
	[tilespmem:s8+$0x20] =	vst v1  }
0xeb: {  	v1 =	vld [tilespmem:s26+$0xFFFFFF30];
	[tilespmem:s8+$0x30] =	vst v2  }
0xec: {  	v2 =	vld [tilespmem:s26+$0xFFFFFF40];
	[tilespmem:s8+$0x40] =	vst v3  }
0xed: {  	v3 =	vld [tilespmem:s26+$0xFFFFFF50];
	[tilespmem:s8+$0x50] =	vst v4  }
0xee: {  	v4 =	vld [tilespmem:s26+$0xFFFFFF60];
	[tilespmem:s8+$0x60] =	vst v5  }
0xef: {  	v5 =	vld [tilespmem:s26+$0xFFFFFF70]  }
0xf0: {  	v7 =	vld [tilespmem:s26+$0xFFFFFF80]  }
0xf1: {  	v6 =	vld.idx.msk [tilespmem:v6+s3+$0x0], $0xffff  }
0xf2: {  	v8 =	vld [tilespmem:s26+$0xFFFFFF90]  }
0xf3: {  	v9 =	vld [tilespmem:s26+$0xFFFFFFA0]  }
0xf4: {  	v10 =	vld [tilespmem:s26+$0xFFFFFFB0]  }
0xf5: {  	v11 =	vld [tilespmem:s26+$0xFFFFFFC0]  }
0xf6: {  	s8 =	sadd.s32 $0x100, s8;
	v12 =	vld [tilespmem:s26+$0xFFFFFFD0]  }
0xf7: {  	v13 =	vld [tilespmem:s26+$0xFFFFFFE0];
	[tilespmem:s8+$0x70] =	vst v6  }
0xf8: {  	v6 =	vld [tilespmem:s26+$0xFFFFFFF0]  }
0xf9: {  	v14 =	vld [tilespmem:s26+$0xFFFFFF10]  }
0xfa: {  	v0 =	vld.idx.msk [tilespmem:v0+s3+$0x0], $0xffff  }
0xfb: {  	v1 =	vld.idx.msk [tilespmem:v1+s3+$0x0], $0xffff  }
0xfc: {  	v2 =	vld.idx.msk [tilespmem:v2+s3+$0x0], $0xffff  }
0xfd: {  	v3 =	vld.idx.msk [tilespmem:v3+s3+$0x0], $0xffff  }
0xfe: {  	v4 =	vld.idx.msk [tilespmem:v4+s3+$0x0], $0xffff  }
0xff: {  	v5 =	vld.idx.msk [tilespmem:v5+s3+$0x0], $0xffff  }
0x100: {  	[tilespmem:s8+$0xFFFFFF90] =	vst v0;
	v7 =	vld.idx.msk [tilespmem:v7+s3+$0x0], $0xffff  }
0x101: {  	v14 =	vld.idx.msk [tilespmem:v14+s3+$0x0], $0xffff;
	[tilespmem:s8+$0xFFFFFFA0] =	vst v1  }
0x102: {  	[tilespmem:s8+$0xFFFFFFB0] =	vst v2;
	v8 =	vld.idx.msk [tilespmem:v8+s3+$0x0], $0xffff  }
0x103: {  	[tilespmem:s8+$0xFFFFFFC0] =	vst v3;
	v0 =	vld.idx.msk [tilespmem:v9+s3+$0x0], $0xffff  }
.Ltmp4:
0x104: {  	[tilespmem:s8+$0xFFFFFFD0] =	vst v4;
	v1 =	vld.idx.msk [tilespmem:v10+s3+$0x0], $0xffff;
	(pc) =	sbr.rel @p0 .LBB2_7-.Ltmp4, $4  }
0x105: {  	[tilespmem:s8+$0xFFFFFFE0] =	vst v5;
	v2 =	vld.idx.msk [tilespmem:v11+s3+$0x0], $0xffff  }
0x106: {  	[tilespmem:s8+$0xFFFFFFF0] =	vst v7;
	v3 =	vld.idx.msk [tilespmem:v12+s3+$0x0], $0xffff  }
0x107: {  	[tilespmem:s8+$0xFFFFFF80] =	vst v14;
	v4 =	vld.idx.msk [tilespmem:v13+s3+$0x0], $0xffff  }
0x108: {  	s26 =	sadd.s32 $0x100, s26;
	[tilespmem:s8+$0x0] =	vst v8;
	v5 =	vld.idx.msk [tilespmem:v6+s3+$0x0], $0xffff  }
0x109: {  	[tilespmem:s8+$0x10] =	vst v0  }
0x10a: {  	[tilespmem:s8+$0x20] =	vst v1  }
0x10b: {  	[tilespmem:s8+$0x30] =	vst v2  }
0x10c: {  	[tilespmem:s8+$0x40] =	vst v3  }
0x10d: {  	[tilespmem:s8+$0x50] =	vst v4  }
0x10e: {  	s0 =	sadd.s32 s0, s13;
	[tilespmem:s8+$0x60] =	vst v5  }
0x10f: {  	[hbm4b:s0+s17] =	stream.strided.scatter [tilespmem:s22], [sflag:$0x2], $0x1000, s18, s17, $0x38;
	[tilespmem:$0x1E700] =	vst v63  }
0x110: {  	_ =	swait.ge [sflag:s25], $0x1000  }
0x111: {  	[sflag:s25] =	ssyncset.done $0x0  }
0x112: {  	s26 =	simm.s32 $0x1B7F0;
	[sflag:s25] =	ssyncadd.s32 $0xFFFFF000  }
0x113: {  	v0 =	vld [tilespmem:s26+$0x0]  }
0x114: {  	v1 =	vld [tilespmem:s26+$0xFFFFFF20]  }
0x115: {  	v2 =	vld [tilespmem:s26+$0xFFFFFF30]  }
0x116: {  	v3 =	vld [tilespmem:s26+$0xFFFFFF40]  }
0x117: {  	v4 =	vld [tilespmem:s26+$0xFFFFFF50]  }
0x118: {  	v5 =	vld [tilespmem:s26+$0xFFFFFF60]  }
0x119: {  	v6 =	vld [tilespmem:s26+$0xFFFFFF70]  }
0x11a: {  	v7 =	vld [tilespmem:s26+$0xFFFFFF80]  }
0x11b: {  	v8 =	vld [tilespmem:s26+$0xFFFFFF90]  }
0x11c: {  	v9 =	vld [tilespmem:s26+$0xFFFFFFA0]  }
0x11d: {  	v10 =	vld [tilespmem:s26+$0xFFFFFFB0]  }
0x11e: {  	v11 =	vld [tilespmem:s26+$0xFFFFFFC0]  }
0x11f: {  	v12 =	vld [tilespmem:s26+$0xFFFFFFD0]  }
0x120: {  	v13 =	vld [tilespmem:s26+$0xFFFFFFE0]  }
0x121: {  	v14 =	vld [tilespmem:s26+$0xFFFFFFF0]  }
0x122: {  	v15 =	vld [tilespmem:s26+$0xFFFFFF10]  }
0x123: {  	v0 =	vld.idx.msk [tilespmem:v0+s3+$0x0], $0xffff  }
0x124: {  	v1 =	vld.idx.msk [tilespmem:v1+s3+$0x0], $0xffff  }
0x125: {  	v2 =	vld.idx.msk [tilespmem:v2+s3+$0x0], $0xffff  }
0x126: {  	v3 =	vld.idx.msk [tilespmem:v3+s3+$0x0], $0xffff  }
0x127: {  	v4 =	vld.idx.msk [tilespmem:v4+s3+$0x0], $0xffff  }
0x128: {  	s0 =	simm.s32 $0x1D780;
	v5 =	vld.idx.msk [tilespmem:v5+s3+$0x0], $0xffff  }
0x129: {  	v6 =	vld.idx.msk [tilespmem:v6+s3+$0x0], $0xffff;
	[tilespmem:s0+$0x70] =	vst v0  }
0x12a: {  	v7 =	vld.idx.msk [tilespmem:v7+s3+$0x0], $0xffff;
	[tilespmem:s0+$0xFFFFFF90] =	vst v1  }
0x12b: {  	v15 =	vld.idx.msk [tilespmem:v15+s3+$0x0], $0xffff;
	[tilespmem:s0+$0xFFFFFFA0] =	vst v2  }
0x12c: {  	v8 =	vld.idx.msk [tilespmem:v8+s3+$0x0], $0xffff;
	[tilespmem:s0+$0xFFFFFFB0] =	vst v3  }
0x12d: {  	[tilespmem:s0+$0xFFFFFFC0] =	vst v4;
	v0 =	vld.idx.msk [tilespmem:v9+s3+$0x0], $0xffff  }
0x12e: {  	[tilespmem:s0+$0xFFFFFFD0] =	vst v5;
	v1 =	vld.idx.msk [tilespmem:v10+s3+$0x0], $0xffff  }
0x12f: {  	[tilespmem:s0+$0xFFFFFFE0] =	vst v6;
	v2 =	vld.idx.msk [tilespmem:v11+s3+$0x0], $0xffff  }
0x130: {  	[tilespmem:s0+$0xFFFFFFF0] =	vst v7;
	v3 =	vld.idx.msk [tilespmem:v12+s3+$0x0], $0xffff  }
0x131: {  	[tilespmem:s0+$0xFFFFFF80] =	vst v15;
	v4 =	vld.idx.msk [tilespmem:v13+s3+$0x0], $0xffff  }
0x132: {  	s16 =	simm.s32 $0x1B8F0;
	s8 =	simm.s32 $0x0;
	[tilespmem:s0+$0x0] =	vst v8;
	v5 =	vld.idx.msk [tilespmem:v14+s3+$0x0], $0xffff  }
.LBB2_9:
0x133: {  	v6 =	vld [tilespmem:s16+$0x0];
	s8 =	sadd.s32 $0x10, s8;
	[tilespmem:s0+$0x10] =	vst v0  }
0x134: {  	v0 =	vld [tilespmem:s16+$0xFFFFFF20];
	p0 =	slt.u32 s8, $0xF0;
	[tilespmem:s0+$0x20] =	vst v1  }
0x135: {  	v1 =	vld [tilespmem:s16+$0xFFFFFF30];
	[tilespmem:s0+$0x30] =	vst v2  }
0x136: {  	v2 =	vld [tilespmem:s16+$0xFFFFFF40];
	[tilespmem:s0+$0x40] =	vst v3  }
0x137: {  	v3 =	vld [tilespmem:s16+$0xFFFFFF50];
	[tilespmem:s0+$0x50] =	vst v4  }
0x138: {  	v4 =	vld [tilespmem:s16+$0xFFFFFF60];
	[tilespmem:s0+$0x60] =	vst v5  }
0x139: {  	v5 =	vld [tilespmem:s16+$0xFFFFFF70]  }
0x13a: {  	v7 =	vld [tilespmem:s16+$0xFFFFFF80]  }
0x13b: {  	v6 =	vld.idx.msk [tilespmem:v6+s3+$0x0], $0xffff  }
0x13c: {  	v8 =	vld [tilespmem:s16+$0xFFFFFF90]  }
0x13d: {  	v9 =	vld [tilespmem:s16+$0xFFFFFFA0]  }
0x13e: {  	v10 =	vld [tilespmem:s16+$0xFFFFFFB0]  }
0x13f: {  	v11 =	vld [tilespmem:s16+$0xFFFFFFC0]  }
0x140: {  	s0 =	sadd.s32 $0x100, s0;
	v12 =	vld [tilespmem:s16+$0xFFFFFFD0]  }
0x141: {  	v13 =	vld [tilespmem:s16+$0xFFFFFFE0];
	[tilespmem:s0+$0x70] =	vst v6  }
0x142: {  	v6 =	vld [tilespmem:s16+$0xFFFFFFF0]  }
0x143: {  	v14 =	vld [tilespmem:s16+$0xFFFFFF10]  }
0x144: {  	v0 =	vld.idx.msk [tilespmem:v0+s3+$0x0], $0xffff  }
0x145: {  	v1 =	vld.idx.msk [tilespmem:v1+s3+$0x0], $0xffff  }
0x146: {  	v2 =	vld.idx.msk [tilespmem:v2+s3+$0x0], $0xffff  }
0x147: {  	v3 =	vld.idx.msk [tilespmem:v3+s3+$0x0], $0xffff  }
0x148: {  	v4 =	vld.idx.msk [tilespmem:v4+s3+$0x0], $0xffff  }
0x149: {  	v5 =	vld.idx.msk [tilespmem:v5+s3+$0x0], $0xffff  }
0x14a: {  	[tilespmem:s0+$0xFFFFFF90] =	vst v0;
	v7 =	vld.idx.msk [tilespmem:v7+s3+$0x0], $0xffff  }
0x14b: {  	v14 =	vld.idx.msk [tilespmem:v14+s3+$0x0], $0xffff;
	[tilespmem:s0+$0xFFFFFFA0] =	vst v1  }
0x14c: {  	[tilespmem:s0+$0xFFFFFFB0] =	vst v2;
	v8 =	vld.idx.msk [tilespmem:v8+s3+$0x0], $0xffff  }
0x14d: {  	[tilespmem:s0+$0xFFFFFFC0] =	vst v3;
	v0 =	vld.idx.msk [tilespmem:v9+s3+$0x0], $0xffff  }
.Ltmp5:
0x14e: {  	[tilespmem:s0+$0xFFFFFFD0] =	vst v4;
	v1 =	vld.idx.msk [tilespmem:v10+s3+$0x0], $0xffff;
	(pc) =	sbr.rel @p0 .LBB2_9-.Ltmp5, $4  }
0x14f: {  	[tilespmem:s0+$0xFFFFFFE0] =	vst v5;
	v2 =	vld.idx.msk [tilespmem:v11+s3+$0x0], $0xffff  }
0x150: {  	[tilespmem:s0+$0xFFFFFFF0] =	vst v7;
	v3 =	vld.idx.msk [tilespmem:v12+s3+$0x0], $0xffff  }
0x151: {  	[tilespmem:s0+$0xFFFFFF80] =	vst v14;
	v4 =	vld.idx.msk [tilespmem:v13+s3+$0x0], $0xffff  }
0x152: {  	s16 =	sadd.s32 $0x100, s16;
	[tilespmem:s0+$0x0] =	vst v8;
	v5 =	vld.idx.msk [tilespmem:v6+s3+$0x0], $0xffff  }
0x153: {  	[tilespmem:s0+$0x10] =	vst v0  }
0x154: {  	[tilespmem:s0+$0x20] =	vst v1  }
0x155: {  	s1 =	sor.u32 s10, s1;
	[tilespmem:s0+$0x30] =	vst v2  }
0x156: {  	s1 =	sshrl.u32 s1, $0x3;
	[tilespmem:s0+$0x40] =	vst v3  }
0x157: {  	s26 =	sor.u32 s14, s30;
	s1 =	sor.u32 $0x3000, s1;
	[tilespmem:s0+$0x50] =	vst v4  }
0x158: {  	s16 =	sadd.s32 s7, s1;
	[tilespmem:s0+$0x60] =	vst v5;
	s0 =	sshrl.u32 s26, $0x3  }
0x159: {  	[hbm4b:s16+s17] =	stream.strided.scatter [tilespmem:s23], [sflag:$0x3], $0x1000, s18, s17, $0x38;
	[tilespmem:$0x1E700] =	vst v63  }
0x15a: {  	s0 =	sadd.s32 s2, s0  }
0x15b: {  	[tilespmem:s3], [sflag:$0x4] =	stream.strided.gather [hbm4b:s0+s17], $0x18700, s18, s17, $0x38;
	[tilespmem:$0x1E700] =	vst v63  }
0x15c: {  	_ =	swait.ge [sflag:s20], $0x18700  }
0x15d: {  	[sflag:s20] =	ssyncset.done $0x0  }
0x15e: {  	[sflag:s20] =	ssyncadd.s32 $0xFFFE7900  }
0x15f: {  	_ =	swait.ge [sflag:s24], $0x1000  }
0x160: {  	[sflag:s24] =	ssyncset.done $0x0  }
0x161: {  	s30 =	simm.s32 $0x18780;
	[sflag:s24] =	ssyncadd.s32 $0xFFFFF000  }
0x162: {  	v0 =	vld [tilespmem:s30+$0x70]  }
0x163: {  	v1 =	vld [tilespmem:s30+$0xFFFFFF90]  }
0x164: {  	v2 =	vld [tilespmem:s30+$0xFFFFFFA0]  }
0x165: {  	v3 =	vld [tilespmem:s30+$0xFFFFFFB0]  }
0x166: {  	v4 =	vld [tilespmem:s30+$0xFFFFFFC0]  }
0x167: {  	v5 =	vld [tilespmem:s30+$0xFFFFFFD0]  }
0x168: {  	v6 =	vld [tilespmem:s30+$0xFFFFFFE0]  }
0x169: {  	v7 =	vld [tilespmem:s30+$0xFFFFFFF0]  }
0x16a: {  	v8 =	vld [tilespmem:s30+$0x0]  }
0x16b: {  	v9 =	vld [tilespmem:s30+$0x10]  }
0x16c: {  	v10 =	vld [tilespmem:s30+$0x20]  }
0x16d: {  	v11 =	vld [tilespmem:s30+$0x30]  }
0x16e: {  	v12 =	vld [tilespmem:s30+$0x40]  }
0x16f: {  	v13 =	vld [tilespmem:s30+$0x50]  }
0x170: {  	v14 =	vld [tilespmem:s30+$0x60]  }
0x171: {  	v15 =	vld [tilespmem:s30+$0xFFFFFF80]  }
0x172: {  	v0 =	vld.idx.msk [tilespmem:v0+s3+$0x0], $0xffff  }
0x173: {  	v1 =	vld.idx.msk [tilespmem:v1+s3+$0x0], $0xffff  }
0x174: {  	v2 =	vld.idx.msk [tilespmem:v2+s3+$0x0], $0xffff  }
0x175: {  	v3 =	vld.idx.msk [tilespmem:v3+s3+$0x0], $0xffff  }
0x176: {  	v4 =	vld.idx.msk [tilespmem:v4+s3+$0x0], $0xffff  }
0x177: {  	s0 =	simm.s32 $0x1C780;
	v5 =	vld.idx.msk [tilespmem:v5+s3+$0x0], $0xffff  }
0x178: {  	v6 =	vld.idx.msk [tilespmem:v6+s3+$0x0], $0xffff;
	[tilespmem:s0+$0x70] =	vst v0  }
0x179: {  	v7 =	vld.idx.msk [tilespmem:v7+s3+$0x0], $0xffff;
	[tilespmem:s0+$0xFFFFFF90] =	vst v1  }
0x17a: {  	v15 =	vld.idx.msk [tilespmem:v15+s3+$0x0], $0xffff;
	[tilespmem:s0+$0xFFFFFFA0] =	vst v2  }
0x17b: {  	v8 =	vld.idx.msk [tilespmem:v8+s3+$0x0], $0xffff;
	[tilespmem:s0+$0xFFFFFFB0] =	vst v3  }
0x17c: {  	[tilespmem:s0+$0xFFFFFFC0] =	vst v4;
	v0 =	vld.idx.msk [tilespmem:v9+s3+$0x0], $0xffff  }
0x17d: {  	[tilespmem:s0+$0xFFFFFFD0] =	vst v5;
	v1 =	vld.idx.msk [tilespmem:v10+s3+$0x0], $0xffff  }
0x17e: {  	[tilespmem:s0+$0xFFFFFFE0] =	vst v6;
	v2 =	vld.idx.msk [tilespmem:v11+s3+$0x0], $0xffff  }
0x17f: {  	[tilespmem:s0+$0xFFFFFFF0] =	vst v7;
	v3 =	vld.idx.msk [tilespmem:v12+s3+$0x0], $0xffff  }
0x180: {  	[tilespmem:s0+$0xFFFFFF80] =	vst v15;
	v4 =	vld.idx.msk [tilespmem:v13+s3+$0x0], $0xffff  }
0x181: {  	s8 =	simm.s32 $0x18880;
	s1 =	simm.s32 $0x0;
	[tilespmem:s0+$0x0] =	vst v8;
	v5 =	vld.idx.msk [tilespmem:v14+s3+$0x0], $0xffff  }
.LBB2_11:
0x182: {  	v6 =	vld [tilespmem:s8+$0x70];
	s1 =	sadd.s32 $0x10, s1;
	[tilespmem:s0+$0x10] =	vst v0  }
0x183: {  	v0 =	vld [tilespmem:s8+$0xFFFFFF90];
	p0 =	slt.u32 s1, $0xF0;
	[tilespmem:s0+$0x20] =	vst v1  }
0x184: {  	v1 =	vld [tilespmem:s8+$0xFFFFFFA0];
	[tilespmem:s0+$0x30] =	vst v2  }
0x185: {  	v2 =	vld [tilespmem:s8+$0xFFFFFFB0];
	[tilespmem:s0+$0x40] =	vst v3  }
0x186: {  	v3 =	vld [tilespmem:s8+$0xFFFFFFC0];
	[tilespmem:s0+$0x50] =	vst v4  }
0x187: {  	v4 =	vld [tilespmem:s8+$0xFFFFFFD0];
	[tilespmem:s0+$0x60] =	vst v5  }
0x188: {  	v5 =	vld [tilespmem:s8+$0xFFFFFFE0]  }
0x189: {  	v7 =	vld [tilespmem:s8+$0xFFFFFFF0]  }
0x18a: {  	v6 =	vld.idx.msk [tilespmem:v6+s3+$0x0], $0xffff  }
0x18b: {  	v8 =	vld [tilespmem:s8+$0x0]  }
0x18c: {  	v9 =	vld [tilespmem:s8+$0x10]  }
0x18d: {  	v10 =	vld [tilespmem:s8+$0x20]  }
0x18e: {  	v11 =	vld [tilespmem:s8+$0x30]  }
0x18f: {  	s0 =	sadd.s32 $0x100, s0;
	v12 =	vld [tilespmem:s8+$0x40]  }
0x190: {  	v13 =	vld [tilespmem:s8+$0x50];
	[tilespmem:s0+$0x70] =	vst v6  }
0x191: {  	v6 =	vld [tilespmem:s8+$0x60]  }
0x192: {  	v14 =	vld [tilespmem:s8+$0xFFFFFF80]  }
0x193: {  	v0 =	vld.idx.msk [tilespmem:v0+s3+$0x0], $0xffff  }
0x194: {  	v1 =	vld.idx.msk [tilespmem:v1+s3+$0x0], $0xffff  }
0x195: {  	v2 =	vld.idx.msk [tilespmem:v2+s3+$0x0], $0xffff  }
0x196: {  	v3 =	vld.idx.msk [tilespmem:v3+s3+$0x0], $0xffff  }
0x197: {  	v4 =	vld.idx.msk [tilespmem:v4+s3+$0x0], $0xffff  }
0x198: {  	v5 =	vld.idx.msk [tilespmem:v5+s3+$0x0], $0xffff  }
0x199: {  	[tilespmem:s0+$0xFFFFFF90] =	vst v0;
	v7 =	vld.idx.msk [tilespmem:v7+s3+$0x0], $0xffff  }
0x19a: {  	v14 =	vld.idx.msk [tilespmem:v14+s3+$0x0], $0xffff;
	[tilespmem:s0+$0xFFFFFFA0] =	vst v1  }
0x19b: {  	[tilespmem:s0+$0xFFFFFFB0] =	vst v2;
	v8 =	vld.idx.msk [tilespmem:v8+s3+$0x0], $0xffff  }
0x19c: {  	[tilespmem:s0+$0xFFFFFFC0] =	vst v3;
	v0 =	vld.idx.msk [tilespmem:v9+s3+$0x0], $0xffff  }
.Ltmp6:
0x19d: {  	[tilespmem:s0+$0xFFFFFFD0] =	vst v4;
	v1 =	vld.idx.msk [tilespmem:v10+s3+$0x0], $0xffff;
	(pc) =	sbr.rel @p0 .LBB2_11-.Ltmp6, $4  }
0x19e: {  	[tilespmem:s0+$0xFFFFFFE0] =	vst v5;
	v2 =	vld.idx.msk [tilespmem:v11+s3+$0x0], $0xffff  }
0x19f: {  	[tilespmem:s0+$0xFFFFFFF0] =	vst v7;
	v3 =	vld.idx.msk [tilespmem:v12+s3+$0x0], $0xffff  }
0x1a0: {  	[tilespmem:s0+$0xFFFFFF80] =	vst v14;
	v4 =	vld.idx.msk [tilespmem:v13+s3+$0x0], $0xffff  }
0x1a1: {  	s8 =	sadd.s32 $0x100, s8;
	[tilespmem:s0+$0x0] =	vst v8;
	v5 =	vld.idx.msk [tilespmem:v6+s3+$0x0], $0xffff  }
0x1a2: {  	[tilespmem:s0+$0x10] =	vst v0  }
0x1a3: {  	[tilespmem:s0+$0x20] =	vst v1  }
0x1a4: {  	[tilespmem:s0+$0x30] =	vst v2  }
0x1a5: {  	s1 =	sor.u32 s14, s31;
	[tilespmem:s0+$0x40] =	vst v3  }
0x1a6: {  	s1 =	sshrl.u32 s1, $0x3;
	[tilespmem:s0+$0x50] =	vst v4  }
0x1a7: {  	s30 =	sadd.s32 s7, s1;
	[tilespmem:s0+$0x60] =	vst v5  }
0x1a8: {  	[hbm4b:s30+s17] =	stream.strided.scatter [tilespmem:s22], [sflag:$0x2], $0x1000, s18, s17, $0x38;
	[tilespmem:$0x1E700] =	vst v63  }
0x1a9: {  	_ =	swait.ge [sflag:s25], $0x1000  }
0x1aa: {  	[sflag:s25] =	ssyncset.done $0x0  }
0x1ab: {  	s31 =	simm.s32 $0x197F0;
	[sflag:s25] =	ssyncadd.s32 $0xFFFFF000  }
0x1ac: {  	v0 =	vld [tilespmem:s31+$0x0]  }
0x1ad: {  	v1 =	vld [tilespmem:s31+$0xFFFFFF20]  }
0x1ae: {  	v2 =	vld [tilespmem:s31+$0xFFFFFF30]  }
0x1af: {  	v3 =	vld [tilespmem:s31+$0xFFFFFF40]  }
0x1b0: {  	v4 =	vld [tilespmem:s31+$0xFFFFFF50]  }
0x1b1: {  	v5 =	vld [tilespmem:s31+$0xFFFFFF60]  }
0x1b2: {  	v6 =	vld [tilespmem:s31+$0xFFFFFF70]  }
0x1b3: {  	v7 =	vld [tilespmem:s31+$0xFFFFFF80]  }
0x1b4: {  	v8 =	vld [tilespmem:s31+$0xFFFFFF90]  }
0x1b5: {  	v9 =	vld [tilespmem:s31+$0xFFFFFFA0]  }
0x1b6: {  	v10 =	vld [tilespmem:s31+$0xFFFFFFB0]  }
0x1b7: {  	v11 =	vld [tilespmem:s31+$0xFFFFFFC0]  }
0x1b8: {  	v12 =	vld [tilespmem:s31+$0xFFFFFFD0]  }
0x1b9: {  	v13 =	vld [tilespmem:s31+$0xFFFFFFE0]  }
0x1ba: {  	v14 =	vld [tilespmem:s31+$0xFFFFFFF0]  }
0x1bb: {  	v15 =	vld [tilespmem:s31+$0xFFFFFF10]  }
0x1bc: {  	v0 =	vld.idx.msk [tilespmem:v0+s3+$0x0], $0xffff  }
0x1bd: {  	v1 =	vld.idx.msk [tilespmem:v1+s3+$0x0], $0xffff  }
0x1be: {  	v2 =	vld.idx.msk [tilespmem:v2+s3+$0x0], $0xffff  }
0x1bf: {  	v3 =	vld.idx.msk [tilespmem:v3+s3+$0x0], $0xffff  }
0x1c0: {  	v4 =	vld.idx.msk [tilespmem:v4+s3+$0x0], $0xffff  }
0x1c1: {  	s0 =	simm.s32 $0x1D780;
	v5 =	vld.idx.msk [tilespmem:v5+s3+$0x0], $0xffff  }
0x1c2: {  	v6 =	vld.idx.msk [tilespmem:v6+s3+$0x0], $0xffff;
	[tilespmem:s0+$0x70] =	vst v0  }
0x1c3: {  	v7 =	vld.idx.msk [tilespmem:v7+s3+$0x0], $0xffff;
	[tilespmem:s0+$0xFFFFFF90] =	vst v1  }
0x1c4: {  	v15 =	vld.idx.msk [tilespmem:v15+s3+$0x0], $0xffff;
	[tilespmem:s0+$0xFFFFFFA0] =	vst v2  }
0x1c5: {  	v8 =	vld.idx.msk [tilespmem:v8+s3+$0x0], $0xffff;
	[tilespmem:s0+$0xFFFFFFB0] =	vst v3  }
0x1c6: {  	[tilespmem:s0+$0xFFFFFFC0] =	vst v4;
	v0 =	vld.idx.msk [tilespmem:v9+s3+$0x0], $0xffff  }
0x1c7: {  	[tilespmem:s0+$0xFFFFFFD0] =	vst v5;
	v1 =	vld.idx.msk [tilespmem:v10+s3+$0x0], $0xffff  }
0x1c8: {  	[tilespmem:s0+$0xFFFFFFE0] =	vst v6;
	v2 =	vld.idx.msk [tilespmem:v11+s3+$0x0], $0xffff  }
0x1c9: {  	[tilespmem:s0+$0xFFFFFFF0] =	vst v7;
	v3 =	vld.idx.msk [tilespmem:v12+s3+$0x0], $0xffff  }
0x1ca: {  	[tilespmem:s0+$0xFFFFFF80] =	vst v15;
	v4 =	vld.idx.msk [tilespmem:v13+s3+$0x0], $0xffff  }
0x1cb: {  	s8 =	simm.s32 $0x0;
	s16 =	simm.s32 $0x198F0;
	[tilespmem:s0+$0x0] =	vst v8;
	v5 =	vld.idx.msk [tilespmem:v14+s3+$0x0], $0xffff  }
.LBB2_13:
0x1cc: {  	v6 =	vld [tilespmem:s16+$0x0];
	s8 =	sadd.s32 $0x10, s8;
	[tilespmem:s0+$0x10] =	vst v0  }
0x1cd: {  	v0 =	vld [tilespmem:s16+$0xFFFFFF20];
	p0 =	slt.u32 s8, $0xF0;
	[tilespmem:s0+$0x20] =	vst v1  }
0x1ce: {  	v1 =	vld [tilespmem:s16+$0xFFFFFF30];
	[tilespmem:s0+$0x30] =	vst v2  }
0x1cf: {  	v2 =	vld [tilespmem:s16+$0xFFFFFF40];
	[tilespmem:s0+$0x40] =	vst v3  }
0x1d0: {  	v3 =	vld [tilespmem:s16+$0xFFFFFF50];
	[tilespmem:s0+$0x50] =	vst v4  }
0x1d1: {  	v4 =	vld [tilespmem:s16+$0xFFFFFF60];
	[tilespmem:s0+$0x60] =	vst v5  }
0x1d2: {  	v5 =	vld [tilespmem:s16+$0xFFFFFF70]  }
0x1d3: {  	v7 =	vld [tilespmem:s16+$0xFFFFFF80]  }
0x1d4: {  	v6 =	vld.idx.msk [tilespmem:v6+s3+$0x0], $0xffff  }
0x1d5: {  	v8 =	vld [tilespmem:s16+$0xFFFFFF90]  }
0x1d6: {  	v9 =	vld [tilespmem:s16+$0xFFFFFFA0]  }
0x1d7: {  	v10 =	vld [tilespmem:s16+$0xFFFFFFB0]  }
0x1d8: {  	v11 =	vld [tilespmem:s16+$0xFFFFFFC0]  }
0x1d9: {  	s0 =	sadd.s32 $0x100, s0;
	v12 =	vld [tilespmem:s16+$0xFFFFFFD0]  }
0x1da: {  	v13 =	vld [tilespmem:s16+$0xFFFFFFE0];
	[tilespmem:s0+$0x70] =	vst v6  }
0x1db: {  	v6 =	vld [tilespmem:s16+$0xFFFFFFF0]  }
0x1dc: {  	v14 =	vld [tilespmem:s16+$0xFFFFFF10]  }
0x1dd: {  	v0 =	vld.idx.msk [tilespmem:v0+s3+$0x0], $0xffff  }
0x1de: {  	v1 =	vld.idx.msk [tilespmem:v1+s3+$0x0], $0xffff  }
0x1df: {  	v2 =	vld.idx.msk [tilespmem:v2+s3+$0x0], $0xffff  }
0x1e0: {  	v3 =	vld.idx.msk [tilespmem:v3+s3+$0x0], $0xffff  }
0x1e1: {  	v4 =	vld.idx.msk [tilespmem:v4+s3+$0x0], $0xffff  }
0x1e2: {  	v5 =	vld.idx.msk [tilespmem:v5+s3+$0x0], $0xffff  }
0x1e3: {  	[tilespmem:s0+$0xFFFFFF90] =	vst v0;
	v7 =	vld.idx.msk [tilespmem:v7+s3+$0x0], $0xffff  }
0x1e4: {  	v14 =	vld.idx.msk [tilespmem:v14+s3+$0x0], $0xffff;
	[tilespmem:s0+$0xFFFFFFA0] =	vst v1  }
0x1e5: {  	[tilespmem:s0+$0xFFFFFFB0] =	vst v2;
	v8 =	vld.idx.msk [tilespmem:v8+s3+$0x0], $0xffff  }
0x1e6: {  	[tilespmem:s0+$0xFFFFFFC0] =	vst v3;
	v0 =	vld.idx.msk [tilespmem:v9+s3+$0x0], $0xffff  }
.Ltmp7:
0x1e7: {  	[tilespmem:s0+$0xFFFFFFD0] =	vst v4;
	v1 =	vld.idx.msk [tilespmem:v10+s3+$0x0], $0xffff;
	(pc) =	sbr.rel @p0 .LBB2_13-.Ltmp7, $4  }
0x1e8: {  	[tilespmem:s0+$0xFFFFFFE0] =	vst v5;
	v2 =	vld.idx.msk [tilespmem:v11+s3+$0x0], $0xffff  }
0x1e9: {  	[tilespmem:s0+$0xFFFFFFF0] =	vst v7;
	v3 =	vld.idx.msk [tilespmem:v12+s3+$0x0], $0xffff  }
0x1ea: {  	[tilespmem:s0+$0xFFFFFF80] =	vst v14;
	v4 =	vld.idx.msk [tilespmem:v13+s3+$0x0], $0xffff  }
0x1eb: {  	s16 =	sadd.s32 $0x100, s16;
	[tilespmem:s0+$0x0] =	vst v8;
	v5 =	vld.idx.msk [tilespmem:v6+s3+$0x0], $0xffff  }
0x1ec: {  	[tilespmem:s0+$0x10] =	vst v0  }
0x1ed: {  	[tilespmem:s0+$0x20] =	vst v1  }
0x1ee: {  	[tilespmem:s0+$0x30] =	vst v2  }
0x1ef: {  	[tilespmem:s0+$0x40] =	vst v3  }
0x1f0: {  	[tilespmem:s0+$0x50] =	vst v4  }
0x1f1: {  	s30 =	sadd.s32 s1, s12;
	[tilespmem:s0+$0x60] =	vst v5  }
0x1f2: {  	[hbm4b:s30+s17] =	stream.strided.scatter [tilespmem:s23], [sflag:$0x3], $0x1000, s18, s17, $0x38;
	[tilespmem:$0x1E700] =	vst v63  }
0x1f3: {  	_ =	swait.ge [sflag:s24], $0x1000  }
0x1f4: {  	[sflag:s24] =	ssyncset.done $0x0  }
0x1f5: {  	s31 =	simm.s32 $0x1A7F0;
	[sflag:s24] =	ssyncadd.s32 $0xFFFFF000  }
0x1f6: {  	v0 =	vld [tilespmem:s31+$0x0]  }
0x1f7: {  	v1 =	vld [tilespmem:s31+$0xFFFFFF20]  }
0x1f8: {  	v2 =	vld [tilespmem:s31+$0xFFFFFF30]  }
0x1f9: {  	v3 =	vld [tilespmem:s31+$0xFFFFFF40]  }
0x1fa: {  	v4 =	vld [tilespmem:s31+$0xFFFFFF50]  }
0x1fb: {  	v5 =	vld [tilespmem:s31+$0xFFFFFF60]  }
0x1fc: {  	v6 =	vld [tilespmem:s31+$0xFFFFFF70]  }
0x1fd: {  	v7 =	vld [tilespmem:s31+$0xFFFFFF80]  }
0x1fe: {  	v8 =	vld [tilespmem:s31+$0xFFFFFF90]  }
0x1ff: {  	v9 =	vld [tilespmem:s31+$0xFFFFFFA0]  }
0x200: {  	v10 =	vld [tilespmem:s31+$0xFFFFFFB0]  }
0x201: {  	v11 =	vld [tilespmem:s31+$0xFFFFFFC0]  }
0x202: {  	v12 =	vld [tilespmem:s31+$0xFFFFFFD0]  }
0x203: {  	v13 =	vld [tilespmem:s31+$0xFFFFFFE0]  }
0x204: {  	v14 =	vld [tilespmem:s31+$0xFFFFFFF0]  }
0x205: {  	v15 =	vld [tilespmem:s31+$0xFFFFFF10]  }
0x206: {  	v0 =	vld.idx.msk [tilespmem:v0+s3+$0x0], $0xffff  }
0x207: {  	v1 =	vld.idx.msk [tilespmem:v1+s3+$0x0], $0xffff  }
0x208: {  	v2 =	vld.idx.msk [tilespmem:v2+s3+$0x0], $0xffff  }
0x209: {  	v3 =	vld.idx.msk [tilespmem:v3+s3+$0x0], $0xffff  }
0x20a: {  	v4 =	vld.idx.msk [tilespmem:v4+s3+$0x0], $0xffff  }
0x20b: {  	s0 =	simm.s32 $0x1C780;
	v5 =	vld.idx.msk [tilespmem:v5+s3+$0x0], $0xffff  }
0x20c: {  	v6 =	vld.idx.msk [tilespmem:v6+s3+$0x0], $0xffff;
	[tilespmem:s0+$0x70] =	vst v0  }
0x20d: {  	v7 =	vld.idx.msk [tilespmem:v7+s3+$0x0], $0xffff;
	[tilespmem:s0+$0xFFFFFF90] =	vst v1  }
0x20e: {  	v15 =	vld.idx.msk [tilespmem:v15+s3+$0x0], $0xffff;
	[tilespmem:s0+$0xFFFFFFA0] =	vst v2  }
0x20f: {  	v8 =	vld.idx.msk [tilespmem:v8+s3+$0x0], $0xffff;
	[tilespmem:s0+$0xFFFFFFB0] =	vst v3  }
0x210: {  	[tilespmem:s0+$0xFFFFFFC0] =	vst v4;
	v0 =	vld.idx.msk [tilespmem:v9+s3+$0x0], $0xffff  }
0x211: {  	[tilespmem:s0+$0xFFFFFFD0] =	vst v5;
	v1 =	vld.idx.msk [tilespmem:v10+s3+$0x0], $0xffff  }
0x212: {  	[tilespmem:s0+$0xFFFFFFE0] =	vst v6;
	v2 =	vld.idx.msk [tilespmem:v11+s3+$0x0], $0xffff  }
0x213: {  	[tilespmem:s0+$0xFFFFFFF0] =	vst v7;
	v3 =	vld.idx.msk [tilespmem:v12+s3+$0x0], $0xffff  }
0x214: {  	[tilespmem:s0+$0xFFFFFF80] =	vst v15;
	v4 =	vld.idx.msk [tilespmem:v13+s3+$0x0], $0xffff  }
0x215: {  	s8 =	simm.s32 $0x0;
	s16 =	simm.s32 $0x1A8F0;
	[tilespmem:s0+$0x0] =	vst v8;
	v5 =	vld.idx.msk [tilespmem:v14+s3+$0x0], $0xffff  }
.LBB2_15:
0x216: {  	v6 =	vld [tilespmem:s16+$0x0];
	s8 =	sadd.s32 $0x10, s8;
	[tilespmem:s0+$0x10] =	vst v0  }
0x217: {  	v0 =	vld [tilespmem:s16+$0xFFFFFF20];
	p0 =	slt.u32 s8, $0xF0;
	[tilespmem:s0+$0x20] =	vst v1  }
0x218: {  	v1 =	vld [tilespmem:s16+$0xFFFFFF30];
	[tilespmem:s0+$0x30] =	vst v2  }
0x219: {  	v2 =	vld [tilespmem:s16+$0xFFFFFF40];
	[tilespmem:s0+$0x40] =	vst v3  }
0x21a: {  	v3 =	vld [tilespmem:s16+$0xFFFFFF50];
	[tilespmem:s0+$0x50] =	vst v4  }
0x21b: {  	v4 =	vld [tilespmem:s16+$0xFFFFFF60];
	[tilespmem:s0+$0x60] =	vst v5  }
0x21c: {  	v5 =	vld [tilespmem:s16+$0xFFFFFF70]  }
0x21d: {  	v7 =	vld [tilespmem:s16+$0xFFFFFF80]  }
0x21e: {  	v6 =	vld.idx.msk [tilespmem:v6+s3+$0x0], $0xffff  }
0x21f: {  	v8 =	vld [tilespmem:s16+$0xFFFFFF90]  }
0x220: {  	v9 =	vld [tilespmem:s16+$0xFFFFFFA0]  }
0x221: {  	v10 =	vld [tilespmem:s16+$0xFFFFFFB0]  }
0x222: {  	v11 =	vld [tilespmem:s16+$0xFFFFFFC0]  }
0x223: {  	s0 =	sadd.s32 $0x100, s0;
	v12 =	vld [tilespmem:s16+$0xFFFFFFD0]  }
0x224: {  	v13 =	vld [tilespmem:s16+$0xFFFFFFE0];
	[tilespmem:s0+$0x70] =	vst v6  }
0x225: {  	v6 =	vld [tilespmem:s16+$0xFFFFFFF0]  }
0x226: {  	v14 =	vld [tilespmem:s16+$0xFFFFFF10]  }
0x227: {  	v0 =	vld.idx.msk [tilespmem:v0+s3+$0x0], $0xffff  }
0x228: {  	v1 =	vld.idx.msk [tilespmem:v1+s3+$0x0], $0xffff  }
0x229: {  	v2 =	vld.idx.msk [tilespmem:v2+s3+$0x0], $0xffff  }
0x22a: {  	v3 =	vld.idx.msk [tilespmem:v3+s3+$0x0], $0xffff  }
0x22b: {  	v4 =	vld.idx.msk [tilespmem:v4+s3+$0x0], $0xffff  }
0x22c: {  	v5 =	vld.idx.msk [tilespmem:v5+s3+$0x0], $0xffff  }
0x22d: {  	[tilespmem:s0+$0xFFFFFF90] =	vst v0;
	v7 =	vld.idx.msk [tilespmem:v7+s3+$0x0], $0xffff  }
0x22e: {  	v14 =	vld.idx.msk [tilespmem:v14+s3+$0x0], $0xffff;
	[tilespmem:s0+$0xFFFFFFA0] =	vst v1  }
0x22f: {  	[tilespmem:s0+$0xFFFFFFB0] =	vst v2;
	v8 =	vld.idx.msk [tilespmem:v8+s3+$0x0], $0xffff  }
0x230: {  	[tilespmem:s0+$0xFFFFFFC0] =	vst v3;
	v0 =	vld.idx.msk [tilespmem:v9+s3+$0x0], $0xffff  }
.Ltmp8:
0x231: {  	[tilespmem:s0+$0xFFFFFFD0] =	vst v4;
	v1 =	vld.idx.msk [tilespmem:v10+s3+$0x0], $0xffff;
	(pc) =	sbr.rel @p0 .LBB2_15-.Ltmp8, $4  }
0x232: {  	[tilespmem:s0+$0xFFFFFFE0] =	vst v5;
	v2 =	vld.idx.msk [tilespmem:v11+s3+$0x0], $0xffff  }
0x233: {  	[tilespmem:s0+$0xFFFFFFF0] =	vst v7;
	v3 =	vld.idx.msk [tilespmem:v12+s3+$0x0], $0xffff  }
0x234: {  	[tilespmem:s0+$0xFFFFFF80] =	vst v14;
	v4 =	vld.idx.msk [tilespmem:v13+s3+$0x0], $0xffff  }
0x235: {  	s16 =	sadd.s32 $0x100, s16;
	[tilespmem:s0+$0x0] =	vst v8;
	v5 =	vld.idx.msk [tilespmem:v6+s3+$0x0], $0xffff  }
0x236: {  	[tilespmem:s0+$0x10] =	vst v0  }
0x237: {  	[tilespmem:s0+$0x20] =	vst v1  }
0x238: {  	[tilespmem:s0+$0x30] =	vst v2  }
0x239: {  	[tilespmem:s0+$0x40] =	vst v3  }
0x23a: {  	[tilespmem:s0+$0x50] =	vst v4  }
0x23b: {  	s30 =	sadd.s32 s1, s13;
	[tilespmem:s0+$0x60] =	vst v5  }
0x23c: {  	[hbm4b:s30+s17] =	stream.strided.scatter [tilespmem:s22], [sflag:$0x2], $0x1000, s18, s17, $0x38;
	[tilespmem:$0x1E700] =	vst v63  }
0x23d: {  	_ =	swait.ge [sflag:s25], $0x1000  }
0x23e: {  	[sflag:s25] =	ssyncset.done $0x0  }
0x23f: {  	s31 =	simm.s32 $0x1B7F0;
	[sflag:s25] =	ssyncadd.s32 $0xFFFFF000  }
0x240: {  	v0 =	vld [tilespmem:s31+$0x0]  }
0x241: {  	v1 =	vld [tilespmem:s31+$0xFFFFFF20]  }
0x242: {  	v2 =	vld [tilespmem:s31+$0xFFFFFF30]  }
0x243: {  	v3 =	vld [tilespmem:s31+$0xFFFFFF40]  }
0x244: {  	v4 =	vld [tilespmem:s31+$0xFFFFFF50]  }
0x245: {  	v5 =	vld [tilespmem:s31+$0xFFFFFF60]  }
0x246: {  	v6 =	vld [tilespmem:s31+$0xFFFFFF70]  }
0x247: {  	v7 =	vld [tilespmem:s31+$0xFFFFFF80]  }
0x248: {  	v8 =	vld [tilespmem:s31+$0xFFFFFF90]  }
0x249: {  	v9 =	vld [tilespmem:s31+$0xFFFFFFA0]  }
0x24a: {  	v10 =	vld [tilespmem:s31+$0xFFFFFFB0]  }
0x24b: {  	v11 =	vld [tilespmem:s31+$0xFFFFFFC0]  }
0x24c: {  	v12 =	vld [tilespmem:s31+$0xFFFFFFD0]  }
0x24d: {  	v13 =	vld [tilespmem:s31+$0xFFFFFFE0]  }
0x24e: {  	v14 =	vld [tilespmem:s31+$0xFFFFFFF0]  }
0x24f: {  	v15 =	vld [tilespmem:s31+$0xFFFFFF10]  }
0x250: {  	v0 =	vld.idx.msk [tilespmem:v0+s3+$0x0], $0xffff  }
0x251: {  	v1 =	vld.idx.msk [tilespmem:v1+s3+$0x0], $0xffff  }
0x252: {  	v2 =	vld.idx.msk [tilespmem:v2+s3+$0x0], $0xffff  }
0x253: {  	v3 =	vld.idx.msk [tilespmem:v3+s3+$0x0], $0xffff  }
0x254: {  	v4 =	vld.idx.msk [tilespmem:v4+s3+$0x0], $0xffff  }
0x255: {  	s0 =	simm.s32 $0x1D780;
	v5 =	vld.idx.msk [tilespmem:v5+s3+$0x0], $0xffff  }
0x256: {  	v6 =	vld.idx.msk [tilespmem:v6+s3+$0x0], $0xffff;
	[tilespmem:s0+$0x70] =	vst v0  }
0x257: {  	v7 =	vld.idx.msk [tilespmem:v7+s3+$0x0], $0xffff;
	[tilespmem:s0+$0xFFFFFF90] =	vst v1  }
0x258: {  	v15 =	vld.idx.msk [tilespmem:v15+s3+$0x0], $0xffff;
	[tilespmem:s0+$0xFFFFFFA0] =	vst v2  }
0x259: {  	v8 =	vld.idx.msk [tilespmem:v8+s3+$0x0], $0xffff;
	[tilespmem:s0+$0xFFFFFFB0] =	vst v3  }
0x25a: {  	[tilespmem:s0+$0xFFFFFFC0] =	vst v4;
	v0 =	vld.idx.msk [tilespmem:v9+s3+$0x0], $0xffff  }
0x25b: {  	[tilespmem:s0+$0xFFFFFFD0] =	vst v5;
	v1 =	vld.idx.msk [tilespmem:v10+s3+$0x0], $0xffff  }
0x25c: {  	[tilespmem:s0+$0xFFFFFFE0] =	vst v6;
	v2 =	vld.idx.msk [tilespmem:v11+s3+$0x0], $0xffff  }
0x25d: {  	[tilespmem:s0+$0xFFFFFFF0] =	vst v7;
	v3 =	vld.idx.msk [tilespmem:v12+s3+$0x0], $0xffff  }
0x25e: {  	[tilespmem:s0+$0xFFFFFF80] =	vst v15;
	v4 =	vld.idx.msk [tilespmem:v13+s3+$0x0], $0xffff  }
0x25f: {  	s8 =	simm.s32 $0x0;
	s16 =	simm.s32 $0x1B8F0;
	[tilespmem:s0+$0x0] =	vst v8;
	v5 =	vld.idx.msk [tilespmem:v14+s3+$0x0], $0xffff  }
.LBB2_17:
0x260: {  	v6 =	vld [tilespmem:s16+$0x0];
	s8 =	sadd.s32 $0x10, s8;
	[tilespmem:s0+$0x10] =	vst v0  }
0x261: {  	v0 =	vld [tilespmem:s16+$0xFFFFFF20];
	p0 =	slt.u32 s8, $0xF0;
	[tilespmem:s0+$0x20] =	vst v1  }
0x262: {  	v1 =	vld [tilespmem:s16+$0xFFFFFF30];
	[tilespmem:s0+$0x30] =	vst v2  }
0x263: {  	v2 =	vld [tilespmem:s16+$0xFFFFFF40];
	[tilespmem:s0+$0x40] =	vst v3  }
0x264: {  	v3 =	vld [tilespmem:s16+$0xFFFFFF50];
	[tilespmem:s0+$0x50] =	vst v4  }
0x265: {  	v4 =	vld [tilespmem:s16+$0xFFFFFF60];
	[tilespmem:s0+$0x60] =	vst v5  }
0x266: {  	v5 =	vld [tilespmem:s16+$0xFFFFFF70]  }
0x267: {  	v7 =	vld [tilespmem:s16+$0xFFFFFF80]  }
0x268: {  	v6 =	vld.idx.msk [tilespmem:v6+s3+$0x0], $0xffff  }
0x269: {  	v8 =	vld [tilespmem:s16+$0xFFFFFF90]  }
0x26a: {  	v9 =	vld [tilespmem:s16+$0xFFFFFFA0]  }
0x26b: {  	v10 =	vld [tilespmem:s16+$0xFFFFFFB0]  }
0x26c: {  	v11 =	vld [tilespmem:s16+$0xFFFFFFC0]  }
0x26d: {  	s0 =	sadd.s32 $0x100, s0;
	v12 =	vld [tilespmem:s16+$0xFFFFFFD0]  }
0x26e: {  	v13 =	vld [tilespmem:s16+$0xFFFFFFE0];
	[tilespmem:s0+$0x70] =	vst v6  }
0x26f: {  	v6 =	vld [tilespmem:s16+$0xFFFFFFF0]  }
0x270: {  	v14 =	vld [tilespmem:s16+$0xFFFFFF10]  }
0x271: {  	v0 =	vld.idx.msk [tilespmem:v0+s3+$0x0], $0xffff  }
0x272: {  	v1 =	vld.idx.msk [tilespmem:v1+s3+$0x0], $0xffff  }
0x273: {  	v2 =	vld.idx.msk [tilespmem:v2+s3+$0x0], $0xffff  }
0x274: {  	v3 =	vld.idx.msk [tilespmem:v3+s3+$0x0], $0xffff  }
0x275: {  	v4 =	vld.idx.msk [tilespmem:v4+s3+$0x0], $0xffff  }
0x276: {  	v5 =	vld.idx.msk [tilespmem:v5+s3+$0x0], $0xffff  }
0x277: {  	[tilespmem:s0+$0xFFFFFF90] =	vst v0;
	v7 =	vld.idx.msk [tilespmem:v7+s3+$0x0], $0xffff  }
0x278: {  	v14 =	vld.idx.msk [tilespmem:v14+s3+$0x0], $0xffff;
	[tilespmem:s0+$0xFFFFFFA0] =	vst v1  }
0x279: {  	[tilespmem:s0+$0xFFFFFFB0] =	vst v2;
	v8 =	vld.idx.msk [tilespmem:v8+s3+$0x0], $0xffff  }
0x27a: {  	[tilespmem:s0+$0xFFFFFFC0] =	vst v3;
	v0 =	vld.idx.msk [tilespmem:v9+s3+$0x0], $0xffff  }
.Ltmp9:
0x27b: {  	[tilespmem:s0+$0xFFFFFFD0] =	vst v4;
	v1 =	vld.idx.msk [tilespmem:v10+s3+$0x0], $0xffff;
	(pc) =	sbr.rel @p0 .LBB2_17-.Ltmp9, $4  }
0x27c: {  	[tilespmem:s0+$0xFFFFFFE0] =	vst v5;
	v2 =	vld.idx.msk [tilespmem:v11+s3+$0x0], $0xffff  }
0x27d: {  	[tilespmem:s0+$0xFFFFFFF0] =	vst v7;
	v3 =	vld.idx.msk [tilespmem:v12+s3+$0x0], $0xffff  }
0x27e: {  	[tilespmem:s0+$0xFFFFFF80] =	vst v14;
	v4 =	vld.idx.msk [tilespmem:v13+s3+$0x0], $0xffff  }
0x27f: {  	s16 =	sadd.s32 $0x100, s16;
	[tilespmem:s0+$0x0] =	vst v8;
	v5 =	vld.idx.msk [tilespmem:v6+s3+$0x0], $0xffff  }
0x280: {  	[tilespmem:s0+$0x10] =	vst v0  }
0x281: {  	[tilespmem:s0+$0x20] =	vst v1;
	p0 =	seq.s32 s28, $0xC  }
.Ltmp10:
0x282: {  	[tilespmem:s0+$0x30] =	vst v2;
	(pc) =	sbr.rel @p0 .LBB2_20-.Ltmp10, $4  }
0x283: {  	[tilespmem:s0+$0x40] =	vst v3  }
0x284: {  	[tilespmem:s0+$0x50] =	vst v4  }
0x285: {  	s31 =	sadd.s32 s1, s15;
	[tilespmem:s0+$0x60] =	vst v5  }
0x286: {  	[hbm4b:s31+s17] =	stream.strided.scatter [tilespmem:s23], [sflag:$0x3], $0x1000, s18, s17, $0x38;
	[tilespmem:$0x1E700] =	vst v63  }
0x287: {  	s0 =	sadd.s32 $0x1, s29  }
0x288: {  	s1 =	smulhi.u32 $0x4EC4EC4F, s0;
	_ =	sdelay $0x1  }
0x289: {  	s1 =	sshrl.u32 s1, $0x2  }
0x28a: {  	s1 =	smul.u32 $0xD, s1;
	_ =	sdelay $0x1  }
0x28b: {  	s0 =	ssub.s32 s0, s1  }
0x28c: {  	s0 =	sadd.s32 s4, s0  }
.Ltmp11:
0x28d: {  	s31 =	sshll.u32 s0, $0x4;
	(pc) =	sbr.rel .LBB2_2-.Ltmp11, $4  }
0x28e: {  	s0 =	sshll.u32 s0, $0xB;
	s1 =	sand.u32 $0x70, s31  }
0x28f: {  	s0 =	sand.u32 $0xC000, s0;
	s1 =	sadd.s32 s6, s1  }
0x290: {  	s28 =	sadd.s32 $0x1, s28;
	s0 =	sadd.s32 s0, s1  }
0x291: {  	[tilespmem:s19], [sflag:$0x1] =	stream.strided.gather [hbm4b:s0+s17], $0x4000, s18, s17, $0x38;
	[tilespmem:$0x1E700] =	vst v63  }
.LBB2_21:
0x292: {  	_ =	sfence.sel $0x180000  }
0x293: {  	[bflag:$0x0] =	sbarrier.arrive $0xFFFF  }
0x294: {  	_ =	strace $0x90000047  }
0x295: {  	s0 =	stileid.u32;
	[bflag:$0x2] =	sbarrier.arrive $0xFFFF  }
0x296: {  	p0 =	sne.s32 s0, $0x0;
	s0 =	rddreg [dreg:$0x2]  }
0x297: {  	s0 =	sadd.s32 @!p0 $0x100000, s0  }
0x298: {  	[sflag:s0] =	ssyncadd.tile.s32 @!p0 $0x1;
	_ =	shalt  }
.Lfunc_end2:
_tile_overlayer_lowered:
.L_overlay_start_2:
0x299: {  	(tag) =	ssettag $0x2  }
0x29a: {  	s0 =	rddreg [dreg:$0x0];
	s2 =	stileid.u32  }
0x29b: {  	s1 =	rddreg [dreg:$0x1];
	p0 =	sne.s32 s2, $0x0  }
0x29c: {  	s3 =	rddreg [dreg:$0x2];
	[bflag:$0x3] =	sbarrier.arrive $0xFFFF;
	s2 =	simm.s32 @!p0 $0x1C04  }
0x29d: {  	[timem:s3], [sflag:s2] =	dma.local @!p0 [hbm:s0], s1  }
0x29e: {  	s0 =	simm.s32 @!p0 $0x4  }
0x29f: {  	_ =	swait.ge @!p0 [sflag:s0], s1  }
0x2a0: {  	s1 =	ssub.s32 @!p0 $0x0, s1;
	[sflag:s0] =	ssyncset.done @!p0 $0x0  }
0x2a1: {  	[sflag:s0] =	ssyncadd.s32 @!p0 s1  }
0x2a2: {  	[bflag:$0x3] =	sbarrier.arrive $0xFFFF  }
0x2a3: {  	_ =	shalt  }

</sc_bundles>
